<compile_context>
chip_gen: v7x
topology: tpu7x:2x2x1
jax: 0.10.2.dev20260603
libtpu: 0.0.44.dev20260713+nightly
codegen_flags: <defaults>
</compile_context>

<pallas_src>
import functools

import jax
import jax.numpy as jnp
from jax import lax
from jax.experimental import pallas as pl
from jax.experimental.pallas import tpu as pltpu
from jax.experimental.pallas import tpu_sc as plsc

N = 10000
E = 320000
D = 128

NT = 16
NW = 32
C = 64
NCH = 160
NPAIR = NCH // 2
EPAD = NW * NCH * C
NP = 10240
RPT = NP // NT
EPW = EPAD // NW
PAD = EPAD - E
RP_LAST = (E - (NW - 1) * EPW) // (2 * C)

_mesh = plsc.VectorSubcoreMesh(core_axis_name="c", subcore_axis_name="s")


@functools.partial(
    pl.kernel,
    mesh=_mesh,
    out_type=jax.ShapeDtypeStruct((2 * N, D), jnp.float32),
    scratch_types=[
        pltpu.VMEM((4, 2 * C), jnp.int32),
        pltpu.VMEM((4, 2 * C), jnp.int32),
        pltpu.VMEM((C, D), jnp.float32),
        pltpu.VMEM((C, D), jnp.float32),
        pltpu.VMEM((C, D), jnp.float32),
        pltpu.VMEM((C, D), jnp.float32),
        pltpu.VMEM_SHARED((NP, D), jnp.float32),
        pltpu.SemaphoreType.DMA,
        pltpu.SemaphoreType.DMA,
        pltpu.SemaphoreType.DMA,
        pltpu.SemaphoreType.DMA,
        pltpu.SemaphoreType.DMA,
        pltpu.SemaphoreType.DMA,
    ],
)
def _sc_segment_sum(x_hbm, src_hbm, dst_hbm, psrc_hbm, pdst_hbm,
                    zero_hbm, out_hbm,
                    sidx, didx, rows0, rows1, rows2, rows3, agg,
                    sem_g0, sem_g1, sem_s0, sem_s1, sem_si, sem_di):
    c = lax.axis_index("c")
    s = lax.axis_index("s")
    w = c * NT + s

    def gather(p, h, buf, sem):
        return pltpu.async_copy(
            x_hbm.at[sidx.at[p % 4, pl.ds(h * C, C)]], buf, sem)

    def scatter(buf, p, h, sem):
        return pltpu.async_copy(
            buf, agg.at[didx.at[p % 4, pl.ds(h * C, C)]], sem, add=True)

    def pf(p, slot):
        is_main = jnp.logical_or(w < NW - 1, p < RP_LAST)

        @pl.when(is_main)
        def _():
            pltpu.async_copy(src_hbm.at[pl.ds(w * EPW + p * 2 * C, 2 * C)],
                             sidx.at[slot], sem_si)
            pltpu.async_copy(dst_hbm.at[pl.ds(w * EPW + p * 2 * C, 2 * C)],
                             didx.at[slot], sem_di)

        @pl.when(jnp.logical_not(is_main))
        def _():
            pltpu.async_copy(psrc_hbm.at[pl.ds((p - RP_LAST) * 2 * C, 2 * C)],
                             sidx.at[slot], sem_si)
            pltpu.async_copy(pdst_hbm.at[pl.ds((p - RP_LAST) * 2 * C, 2 * C)],
                             didx.at[slot], sem_di)

    def drain_g(sem, buf):
        pltpu.make_async_copy(zero_hbm.at[pl.ds(0, C)], buf, sem).wait()

    def drain_s(sem, buf):
        pltpu.make_async_copy(zero_hbm.at[pl.ds(0, C)], buf, sem).wait()

    def drain_pf():
        pltpu.make_async_copy(src_hbm.at[pl.ds(0, 2 * C)], sidx.at[0],
                              sem_si).wait()
        pltpu.make_async_copy(dst_hbm.at[pl.ds(0, 2 * C)], didx.at[0],
                              sem_di).wait()

    cp_z = pltpu.async_copy(zero_hbm,
                            agg.at[pl.ds(s * RPT, RPT)], sem_s0)

    pltpu.sync_copy(src_hbm.at[pl.ds(w * EPW, 2 * C)], sidx.at[0])
    pltpu.sync_copy(dst_hbm.at[pl.ds(w * EPW, 2 * C)], didx.at[0])
    pltpu.async_copy(src_hbm.at[pl.ds(w * EPW + 2 * C, 2 * C)],
                     sidx.at[1], sem_si)
    pltpu.async_copy(dst_hbm.at[pl.ds(w * EPW + 2 * C, 2 * C)],
                     didx.at[1], sem_di)

    cp_z.wait()
    plsc.subcore_barrier()

    g_a = gather(0, 0, rows0, sem_g0)
    g_b = gather(0, 1, rows1, sem_g1)

    g_a.wait()
    scatter(rows0, 0, 0, sem_s0)
    drain_pf()
    gather(1, 0, rows2, sem_g0)
    g_b.wait()
    scatter(rows1, 0, 1, sem_s1)
    gather(1, 1, rows3, sem_g1)
    pf(2, 2)

    def body(q, carry):
        p = 2 * q + 1
        drain_g(sem_g0, rows2)
        drain_s(sem_s0, rows0)
        s_a = scatter(rows2, p, 0, sem_s0)
        drain_pf()
        g_a = gather(p + 1, 0, rows0, sem_g0)
        drain_g(sem_g1, rows3)
        drain_s(sem_s1, rows1)
        s_b = scatter(rows3, p, 1, sem_s1)
        g_b = gather(p + 1, 1, rows1, sem_g1)
        pf(lax.min(p + 2, NPAIR - 1), (p + 2) % 4)
        g_a.wait()
        s_a.wait()
        scatter(rows0, p + 1, 0, sem_s0)
        drain_pf()
        gather(lax.min(p + 2, NPAIR - 1), 0, rows2, sem_g0)
        g_b.wait()
        s_b.wait()
        scatter(rows1, p + 1, 1, sem_s1)
        gather(lax.min(p + 2, NPAIR - 1), 1, rows3, sem_g1)
        pf(lax.min(p + 3, NPAIR - 1), (p + 3) % 4)
        return carry

    lax.fori_loop(0, (NPAIR - 2) // 2, body, 0)

    drain_g(sem_g0, rows2)
    drain_s(sem_s0, rows0)
    s_a = scatter(rows2, NPAIR - 1, 0, sem_s0)
    drain_g(sem_g1, rows3)
    drain_s(sem_s1, rows1)
    s_b = scatter(rows3, NPAIR - 1, 1, sem_s1)
    drain_pf()
    s_a.wait()
    s_b.wait()

    plsc.subcore_barrier()

    off = lax.min(s * RPT, N - RPT)
    pltpu.sync_copy(agg.at[pl.ds(off, RPT)],
                    out_hbm.at[pl.ds(c * N + off, RPT)])


def _mlp_block(h, W, b, g, be):
    h = lax.dot_general(h, W, (((1,), (1,)), ((), ())),
                        preferred_element_type=jnp.float32) + b
    m = jnp.mean(h, axis=0, keepdims=True)
    v = jnp.mean((h - m) ** 2, axis=0, keepdims=True)
    h = (h - m) / jnp.sqrt(v + 1e-5) * g + be
    return h * jax.nn.sigmoid(h)


def _tc_mlp_body(parts, x, eps, W1, b1, g1, be1, W2, b2, g2, be2, o):
    h = (parts[pl.ds(0, N), :] + parts[pl.ds(N, N), :]
         + (1.0 + eps[0, 0]) * x[...])
    h = _mlp_block(h, W1[...], b1[...], g1[...], be1[...])
    h = _mlp_block(h, W2[...], b2[...], g2[...], be2[...])
    o[...] = h


def kernel(x, edge_index, eps, W1, b1, g1, be1, W2, b2, g2, be2):
    src = edge_index[0].astype(jnp.int32)
    dst = edge_index[1].astype(jnp.int32)
    iot = jnp.arange(PAD, dtype=jnp.int32)
    psrc = iot % N
    pdst = N + iot % (NP - N)
    zeros = jnp.zeros((RPT, D), jnp.float32)

    partials = _sc_segment_sum(x, src, dst, psrc, pdst, zeros)

    out = pl.pallas_call(
        _tc_mlp_body,
        out_shape=jax.ShapeDtypeStruct((N, D), jnp.float32),
    )(partials, x, eps.reshape(1, 1),
      W1, b1.reshape(1, D), g1.reshape(1, D), be1.reshape(1, D),
      W2, b2.reshape(1, D), g2.reshape(1, D), be2.reshape(1, D))
    return out

# --- scband reference (transcript-rebuilt; emitter-appended) ---
"""Pipeline reference for scband-ginlayer-90031104459187 (READ-ONLY COPY).

The authoritative reference and input builder live on the scoring server;
editing this copy changes nothing except your own understanding.
"""

import jax, jax.numpy as jnp
import numpy as np

N = 10000
E = 320000
D = 128


def setup_inputs(seed: int = 0) -> dict:
    key = jax.random.key(seed)
    ks = jax.random.split(key, 8)
    x = jax.random.normal(ks[0], (N, D), dtype=jnp.float32)
    edge_index = jax.random.randint(ks[1], (2, E), 0, N, dtype=jnp.int64)
    eps = jnp.zeros((1,), dtype=jnp.float32)
    W1 = jax.random.normal(ks[2], (D, D), dtype=jnp.float32) * 0.05
    b1 = jnp.zeros((D,), dtype=jnp.float32)
    g1 = jnp.ones((D,), dtype=jnp.float32)
    be1 = jnp.zeros((D,), dtype=jnp.float32)
    W2 = jax.random.normal(ks[3], (D, D), dtype=jnp.float32) * 0.05
    b2 = jnp.zeros((D,), dtype=jnp.float32)
    g2 = jnp.ones((D,), dtype=jnp.float32)
    be2 = jnp.zeros((D,), dtype=jnp.float32)
    return {"x": x, "edge_index": edge_index, "eps": eps, "W1": W1, "b1": b1, "g1": g1, "be1": be1, "W2": W2, "b2": b2, "g2": g2, "be2": be2}


def _swish(h):
    return h * jax.nn.sigmoid(h)


def _linear_block(h, W, b, g, be):
    # Linear (torch convention: weight [out, in]) -> BatchNorm1d (batch stats) -> Swish
    h = h @ W.T + b
    m = jnp.mean(h, axis=0)
    v = jnp.var(h, axis=0)
    h = (h - m) / jnp.sqrt(v + 1e-5) * g + be
    return _swish(h)


def reference(x, edge_index, eps, W1, b1, g1, be1, W2, b2, g2, be2):
    src = edge_index[0]
    dst = edge_index[1]
    # spmm(adj, x): adj[dst, src] = 1  =>  out[dst] += x[src]
    agg = jax.ops.segment_sum(x[src], dst, num_segments=N)
    out = agg + (1.0 + eps) * x
    out = _linear_block(out, W1, b1, g1, be1)
    out = _linear_block(out, W2, b2, g2, be2)
    return out

if __name__ == "__main__":
    import jax
    _d = setup_inputs()
    print(jax.jit(kernel)(*tuple(_d.values())))

</pallas_src>

<mosaic_0001>
#map = affine_map<(d0, d1) -> (0, 0)>
#map1 = affine_map<(d0, d1) -> (0)>
module attributes {stable_mosaic.version = 14 : i64} {
  func.func @_sc_segment_sum(%arg0: i32, %arg1: i32, %arg2: memref<10000x128xf32, #tpu.memory_space<hbm>>, %arg3: memref<320000xi32, #tpu.memory_space<hbm>>, %arg4: memref<320000xi32, #tpu.memory_space<hbm>>, %arg5: memref<7680xi32, #tpu.memory_space<hbm>>, %arg6: memref<7680xi32, #tpu.memory_space<hbm>>, %arg7: memref<640x128xf32, #tpu.memory_space<hbm>>, %arg8: memref<20000x128xf32, #tpu.memory_space<hbm>>, %arg9: memref<4x128xi32, #tpu.memory_space<vmem>>, %arg10: memref<4x128xi32, #tpu.memory_space<vmem>>, %arg11: memref<64x128xf32, #tpu.memory_space<vmem>>, %arg12: memref<64x128xf32, #tpu.memory_space<vmem>>, %arg13: memref<64x128xf32, #tpu.memory_space<vmem>>, %arg14: memref<64x128xf32, #tpu.memory_space<vmem>>, %arg15: memref<10240x128xf32, #tpu.memory_space<vmem_shared>>, %arg16: memref<!tpu.dma_semaphore, #tpu.memory_space<semaphore_mem>>, %arg17: memref<!tpu.dma_semaphore, #tpu.memory_space<semaphore_mem>>, %arg18: memref<!tpu.dma_semaphore, #tpu.memory_space<semaphore_mem>>, %arg19: memref<!tpu.dma_semaphore, #tpu.memory_space<semaphore_mem>>, %arg20: memref<!tpu.dma_semaphore, #tpu.memory_space<semaphore_mem>>, %arg21: memref<!tpu.dma_semaphore, #tpu.memory_space<semaphore_mem>>) attributes {dimension_semantics = [#tpu.dimension_semantics<core_parallel>, #tpu.dimension_semantics<subcore_parallel>], iteration_bounds = array<i64: 2, 16>, scalar_prefetch = 0 : i64, scratch_operands = 13 : i64, tpu.core_type = #tpu.core_type<sc_vector_subcore>, window_params = [{transform_indices = #map}, {transform_indices = #map1}, {transform_indices = #map1}, {transform_indices = #map1}, {transform_indices = #map1}, {transform_indices = #map}, {transform_indices = #map}]} {
    %mul3A = arith.constant 16 : i32
    %mul3A_0 = arith.muli %arg0, %mul3A : i32
    %add3A = arith.addi %mul3A_0, %arg1 : i32
    %mul3A_1 = arith.constant 640 : i32
    %mul3A_2 = arith.muli %arg1, %mul3A_1 : i32
    %dma_start3A = arith.constant 0 : i32
    %dma_start3A_3 = tpu.memref_slice %arg15[%mul3A_2, %dma_start3A] : memref<10240x128xf32, #tpu.memory_space<vmem_shared>> -> memref<640x128xf32, #tpu.memory_space<vmem_shared>>
    tpu.enqueue_dma source(%arg7 : memref<640x128xf32, #tpu.memory_space<hbm>>) target(%dma_start3A_3 : memref<640x128xf32, #tpu.memory_space<vmem_shared>>) target_semaphore(%arg18 : memref<!tpu.dma_semaphore, #tpu.memory_space<semaphore_mem>>)
    %mul3A_4 = arith.constant 10240 : i32
    %mul3A_5 = arith.muli %add3A, %mul3A_4 : i32
    %run_scoped3A = arith.constant 0 : i32
    "tpu.region"() ({
      %run_scoped3A_207 = tpu.sem_alloc : memref<!tpu.dma_semaphore, #tpu.memory_space<semaphore_mem>>
      %dma_start3A_208 = arith.constant 0 : i32
      %dma_start3A_209 = tpu.memref_slice %arg9[%run_scoped3A, %dma_start3A_208] : memref<4x128xi32, #tpu.memory_space<vmem>> -> memref<1x128xi32, #tpu.memory_space<vmem>>
      %dma_start3A_210 = tpu.memref_squeeze %dma_start3A_209 : memref<1x128xi32, #tpu.memory_space<vmem>> -> memref<128xi32, #tpu.memory_space<vmem>>
      %dma_start3A_211 = tpu.memref_slice %arg3[%mul3A_5] : memref<320000xi32, #tpu.memory_space<hbm>> -> memref<128xi32, #tpu.memory_space<hbm>>
      %dma_start3A_212 = arith.constant 0 : i32
      %dma_start3A_213 = tpu.memref_slice %arg9[%run_scoped3A, %dma_start3A_212] : memref<4x128xi32, #tpu.memory_space<vmem>> -> memref<1x128xi32, #tpu.memory_space<vmem>>
      %dma_start3A_214 = tpu.memref_squeeze %dma_start3A_213 : memref<1x128xi32, #tpu.memory_space<vmem>> -> memref<128xi32, #tpu.memory_space<vmem>>
      %dma_start3A_215 = tpu.memref_slice %arg3[%mul3A_5] : memref<320000xi32, #tpu.memory_space<hbm>> -> memref<128xi32, #tpu.memory_space<hbm>>
      tpu.enqueue_dma source(%dma_start3A_215 : memref<128xi32, #tpu.memory_space<hbm>>) target(%dma_start3A_214 : memref<128xi32, #tpu.memory_space<vmem>>) target_semaphore(%run_scoped3A_207 : memref<!tpu.dma_semaphore, #tpu.memory_space<semaphore_mem>>)
      %dma_wait3A_216 = arith.constant 0 : i32
      %dma_wait3A_217 = tpu.memref_slice %arg9[%run_scoped3A, %dma_wait3A_216] : memref<4x128xi32, #tpu.memory_space<vmem>> -> memref<1x128xi32, #tpu.memory_space<vmem>>
      %dma_wait3A_218 = tpu.memref_squeeze %dma_wait3A_217 : memref<1x128xi32, #tpu.memory_space<vmem>> -> memref<128xi32, #tpu.memory_space<vmem>>
      %dma_wait3A_219 = tpu.memref_slice %arg3[%mul3A_5] : memref<320000xi32, #tpu.memory_space<hbm>> -> memref<128xi32, #tpu.memory_space<hbm>>
      %dma_wait3A_220 = arith.constant 0 : i32
      %dma_wait3A_221 = tpu.memref_slice %arg9[%run_scoped3A, %dma_wait3A_220] : memref<4x128xi32, #tpu.memory_space<vmem>> -> memref<1x128xi32, #tpu.memory_space<vmem>>
      %dma_wait3A_222 = tpu.memref_squeeze %dma_wait3A_221 : memref<1x128xi32, #tpu.memory_space<vmem>> -> memref<128xi32, #tpu.memory_space<vmem>>
      %dma_wait3A_223 = tpu.memref_slice %arg3[%mul3A_5] : memref<320000xi32, #tpu.memory_space<hbm>> -> memref<128xi32, #tpu.memory_space<hbm>>
      tpu.wait_dma2 semaphore(%run_scoped3A_207 : memref<!tpu.dma_semaphore, #tpu.memory_space<semaphore_mem>>) src(%dma_wait3A_223 : memref<128xi32, #tpu.memory_space<hbm>>) dst(%dma_wait3A_222 : memref<128xi32, #tpu.memory_space<vmem>>)
      tpu.yield
    }) : () -> ()
    %mul3A_6 = arith.constant 10240 : i32
    %mul3A_7 = arith.muli %add3A, %mul3A_6 : i32
    %run_scoped3A_8 = arith.constant 0 : i32
    "tpu.region"() ({
      %run_scoped3A_207 = tpu.sem_alloc : memref<!tpu.dma_semaphore, #tpu.memory_space<semaphore_mem>>
      %dma_start3A_208 = arith.constant 0 : i32
      %dma_start3A_209 = tpu.memref_slice %arg10[%run_scoped3A_8, %dma_start3A_208] : memref<4x128xi32, #tpu.memory_space<vmem>> -> memref<1x128xi32, #tpu.memory_space<vmem>>
      %dma_start3A_210 = tpu.memref_squeeze %dma_start3A_209 : memref<1x128xi32, #tpu.memory_space<vmem>> -> memref<128xi32, #tpu.memory_space<vmem>>
      %dma_start3A_211 = tpu.memref_slice %arg4[%mul3A_7] : memref<320000xi32, #tpu.memory_space<hbm>> -> memref<128xi32, #tpu.memory_space<hbm>>
      %dma_start3A_212 = arith.constant 0 : i32
      %dma_start3A_213 = tpu.memref_slice %arg10[%run_scoped3A_8, %dma_start3A_212] : memref<4x128xi32, #tpu.memory_space<vmem>> -> memref<1x128xi32, #tpu.memory_space<vmem>>
      %dma_start3A_214 = tpu.memref_squeeze %dma_start3A_213 : memref<1x128xi32, #tpu.memory_space<vmem>> -> memref<128xi32, #tpu.memory_space<vmem>>
      %dma_start3A_215 = tpu.memref_slice %arg4[%mul3A_7] : memref<320000xi32, #tpu.memory_space<hbm>> -> memref<128xi32, #tpu.memory_space<hbm>>
      tpu.enqueue_dma source(%dma_start3A_215 : memref<128xi32, #tpu.memory_space<hbm>>) target(%dma_start3A_214 : memref<128xi32, #tpu.memory_space<vmem>>) target_semaphore(%run_scoped3A_207 : memref<!tpu.dma_semaphore, #tpu.memory_space<semaphore_mem>>)
      %dma_wait3A_216 = arith.constant 0 : i32
      %dma_wait3A_217 = tpu.memref_slice %arg10[%run_scoped3A_8, %dma_wait3A_216] : memref<4x128xi32, #tpu.memory_space<vmem>> -> memref<1x128xi32, #tpu.memory_space<vmem>>
      %dma_wait3A_218 = tpu.memref_squeeze %dma_wait3A_217 : memref<1x128xi32, #tpu.memory_space<vmem>> -> memref<128xi32, #tpu.memory_space<vmem>>
      %dma_wait3A_219 = tpu.memref_slice %arg4[%mul3A_7] : memref<320000xi32, #tpu.memory_space<hbm>> -> memref<128xi32, #tpu.memory_space<hbm>>
      %dma_wait3A_220 = arith.constant 0 : i32
      %dma_wait3A_221 = tpu.memref_slice %arg10[%run_scoped3A_8, %dma_wait3A_220] : memref<4x128xi32, #tpu.memory_space<vmem>> -> memref<1x128xi32, #tpu.memory_space<vmem>>
      %dma_wait3A_222 = tpu.memref_squeeze %dma_wait3A_221 : memref<1x128xi32, #tpu.memory_space<vmem>> -> memref<128xi32, #tpu.memory_space<vmem>>
      %dma_wait3A_223 = tpu.memref_slice %arg4[%mul3A_7] : memref<320000xi32, #tpu.memory_space<hbm>> -> memref<128xi32, #tpu.memory_space<hbm>>
      tpu.wait_dma2 semaphore(%run_scoped3A_207 : memref<!tpu.dma_semaphore, #tpu.memory_space<semaphore_mem>>) src(%dma_wait3A_223 : memref<128xi32, #tpu.memory_space<hbm>>) dst(%dma_wait3A_222 : memref<128xi32, #tpu.memory_space<vmem>>)
      tpu.yield
    }) : () -> ()
    %mul3A_9 = arith.constant 10240 : i32
    %mul3A_10 = arith.muli %add3A, %mul3A_9 : i32
    %add3A_11 = arith.constant 128 : i32
    %add3A_12 = arith.addi %mul3A_10, %add3A_11 : i32
    %dma_start3A_13 = arith.constant 1 : i32
    %dma_start3A_14 = arith.constant 0 : i32
    %dma_start3A_15 = tpu.memref_slice %arg9[%dma_start3A_13, %dma_start3A_14] : memref<4x128xi32, #tpu.memory_space<vmem>> -> memref<1x128xi32, #tpu.memory_space<vmem>>
    %dma_start3A_16 = tpu.memref_squeeze %dma_start3A_15 : memref<1x128xi32, #tpu.memory_space<vmem>> -> memref<128xi32, #tpu.memory_space<vmem>>
    %dma_start3A_17 = tpu.memref_slice %arg3[%add3A_12] : memref<320000xi32, #tpu.memory_space<hbm>> -> memref<128xi32, #tpu.memory_space<hbm>>
    %dma_start3A_18 = arith.constant 0 : i32
    %dma_start3A_19 = tpu.memref_slice %arg9[%dma_start3A_13, %dma_start3A_18] : memref<4x128xi32, #tpu.memory_space<vmem>> -> memref<1x128xi32, #tpu.memory_space<vmem>>
    %dma_start3A_20 = tpu.memref_squeeze %dma_start3A_19 : memref<1x128xi32, #tpu.memory_space<vmem>> -> memref<128xi32, #tpu.memory_space<vmem>>
    %dma_start3A_21 = tpu.memref_slice %arg3[%add3A_12] : memref<320000xi32, #tpu.memory_space<hbm>> -> memref<128xi32, #tpu.memory_space<hbm>>
    tpu.enqueue_dma source(%dma_start3A_21 : memref<128xi32, #tpu.memory_space<hbm>>) target(%dma_start3A_20 : memref<128xi32, #tpu.memory_space<vmem>>) target_semaphore(%arg20 : memref<!tpu.dma_semaphore, #tpu.memory_space<semaphore_mem>>)
    %mul3A_22 = arith.constant 10240 : i32
    %mul3A_23 = arith.muli %add3A, %mul3A_22 : i32
    %add3A_24 = arith.constant 128 : i32
    %add3A_25 = arith.addi %mul3A_23, %add3A_24 : i32
    %dma_start3A_26 = arith.constant 1 : i32
    %dma_start3A_27 = arith.constant 0 : i32
    %dma_start3A_28 = tpu.memref_slice %arg10[%dma_start3A_26, %dma_start3A_27] : memref<4x128xi32, #tpu.memory_space<vmem>> -> memref<1x128xi32, #tpu.memory_space<vmem>>
    %dma_start3A_29 = tpu.memref_squeeze %dma_start3A_28 : memref<1x128xi32, #tpu.memory_space<vmem>> -> memref<128xi32, #tpu.memory_space<vmem>>
    %dma_start3A_30 = tpu.memref_slice %arg4[%add3A_25] : memref<320000xi32, #tpu.memory_space<hbm>> -> memref<128xi32, #tpu.memory_space<hbm>>
    %dma_start3A_31 = arith.constant 0 : i32
    %dma_start3A_32 = tpu.memref_slice %arg10[%dma_start3A_26, %dma_start3A_31] : memref<4x128xi32, #tpu.memory_space<vmem>> -> memref<1x128xi32, #tpu.memory_space<vmem>>
    %dma_start3A_33 = tpu.memref_squeeze %dma_start3A_32 : memref<1x128xi32, #tpu.memory_space<vmem>> -> memref<128xi32, #tpu.memory_space<vmem>>
    %dma_start3A_34 = tpu.memref_slice %arg4[%add3A_25] : memref<320000xi32, #tpu.memory_space<hbm>> -> memref<128xi32, #tpu.memory_space<hbm>>
    tpu.enqueue_dma source(%dma_start3A_34 : memref<128xi32, #tpu.memory_space<hbm>>) target(%dma_start3A_33 : memref<128xi32, #tpu.memory_space<vmem>>) target_semaphore(%arg21 : memref<!tpu.dma_semaphore, #tpu.memory_space<semaphore_mem>>)
    %dma_wait3A = arith.constant 0 : i32
    %dma_wait3A_35 = tpu.memref_slice %arg15[%mul3A_2, %dma_wait3A] : memref<10240x128xf32, #tpu.memory_space<vmem_shared>> -> memref<640x128xf32, #tpu.memory_space<vmem_shared>>
    tpu.wait_dma2 semaphore(%arg18 : memref<!tpu.dma_semaphore, #tpu.memory_space<semaphore_mem>>) src(%arg7 : memref<640x128xf32, #tpu.memory_space<hbm>>) dst(%dma_wait3A_35 : memref<640x128xf32, #tpu.memory_space<vmem_shared>>)
    %barrier3A = arith.constant 0 : index
    tpu.barrier barrier_id(%barrier3A)
    %dma_start3A_36 = arith.constant 0 : i32
    %dma_start3A_37 = arith.constant 0 : i32
    %dma_start3A_38 = tpu.memref_slice %arg9[%dma_start3A_36, %dma_start3A_37] : memref<4x128xi32, #tpu.memory_space<vmem>> -> memref<1x64xi32, #tpu.memory_space<vmem>>
    %dma_start3A_39 = tpu.memref_squeeze %dma_start3A_38 : memref<1x64xi32, #tpu.memory_space<vmem>> -> memref<64xi32, #tpu.memory_space<vmem>>
    %dma_start3A_40 = arith.constant 0 : i32
    %dma_start3A_41 = arith.constant 0 : i32
    %dma_start3A_42 = tpu.memref_slice %arg2[%dma_start3A_40, %dma_start3A_41] : memref<10000x128xf32, #tpu.memory_space<hbm>> -> memref<10000x128xf32, #tpu.memory_space<hbm>>
    tpu.enqueue_indirect_dma source(%dma_start3A_42 : memref<10000x128xf32, #tpu.memory_space<hbm>>) target(%arg11 : memref<64x128xf32, #tpu.memory_space<vmem>>) offsets(%dma_start3A_39 : memref<64xi32, #tpu.memory_space<vmem>>) semaphore(%arg16 : memref<!tpu.dma_semaphore, #tpu.memory_space<semaphore_mem>>)
    %dma_start3A_43 = arith.constant 0 : i32
    %dma_start3A_44 = arith.constant 64 : i32
    %dma_start3A_45 = tpu.memref_slice %arg9[%dma_start3A_43, %dma_start3A_44] : memref<4x128xi32, #tpu.memory_space<vmem>> -> memref<1x64xi32, #tpu.memory_space<vmem>>
    %dma_start3A_46 = tpu.memref_squeeze %dma_start3A_45 : memref<1x64xi32, #tpu.memory_space<vmem>> -> memref<64xi32, #tpu.memory_space<vmem>>
    %dma_start3A_47 = arith.constant 0 : i32
    %dma_start3A_48 = arith.constant 0 : i32
    %dma_start3A_49 = tpu.memref_slice %arg2[%dma_start3A_47, %dma_start3A_48] : memref<10000x128xf32, #tpu.memory_space<hbm>> -> memref<10000x128xf32, #tpu.memory_space<hbm>>
    tpu.enqueue_indirect_dma source(%dma_start3A_49 : memref<10000x128xf32, #tpu.memory_space<hbm>>) target(%arg12 : memref<64x128xf32, #tpu.memory_space<vmem>>) offsets(%dma_start3A_46 : memref<64xi32, #tpu.memory_space<vmem>>) semaphore(%arg17 : memref<!tpu.dma_semaphore, #tpu.memory_space<semaphore_mem>>)
    %dma_wait3A_50 = arith.constant 0 : i32
    %dma_wait3A_51 = arith.constant 0 : i32
    %dma_wait3A_52 = tpu.memref_slice %arg9[%dma_wait3A_50, %dma_wait3A_51] : memref<4x128xi32, #tpu.memory_space<vmem>> -> memref<1x64xi32, #tpu.memory_space<vmem>>
    %dma_wait3A_53 = tpu.memref_squeeze %dma_wait3A_52 : memref<1x64xi32, #tpu.memory_space<vmem>> -> memref<64xi32, #tpu.memory_space<vmem>>
    %dma_wait3A_54 = arith.constant 0 : i32
    %dma_wait3A_55 = arith.constant 0 : i32
    %dma_wait3A_56 = tpu.memref_slice %arg2[%dma_wait3A_54, %dma_wait3A_55] : memref<10000x128xf32, #tpu.memory_space<hbm>> -> memref<10000x128xf32, #tpu.memory_space<hbm>>
    tpu.wait_indirect_dma semaphore(%arg16 : memref<!tpu.dma_semaphore, #tpu.memory_space<semaphore_mem>>) src(%dma_wait3A_56 : memref<10000x128xf32, #tpu.memory_space<hbm>>) dst(%arg11 : memref<64x128xf32, #tpu.memory_space<vmem>>)
    %dma_start3A_57 = arith.constant 0 : i32
    %dma_start3A_58 = arith.constant 0 : i32
    %dma_start3A_59 = tpu.memref_slice %arg10[%dma_start3A_57, %dma_start3A_58] : memref<4x128xi32, #tpu.memory_space<vmem>> -> memref<1x64xi32, #tpu.memory_space<vmem>>
    %dma_start3A_60 = tpu.memref_squeeze %dma_start3A_59 : memref<1x64xi32, #tpu.memory_space<vmem>> -> memref<64xi32, #tpu.memory_space<vmem>>
    %dma_start3A_61 = arith.constant 0 : i32
    %dma_start3A_62 = arith.constant 0 : i32
    %dma_start3A_63 = tpu.memref_slice %arg15[%dma_start3A_61, %dma_start3A_62] : memref<10240x128xf32, #tpu.memory_space<vmem_shared>> -> memref<10240x128xf32, #tpu.memory_space<vmem_shared>>
    tpu.enqueue_indirect_dma source(%arg11 : memref<64x128xf32, #tpu.memory_space<vmem>>) target(%dma_start3A_63 : memref<10240x128xf32, #tpu.memory_space<vmem_shared>>) offsets(%dma_start3A_60 : memref<64xi32, #tpu.memory_space<vmem>>) semaphore(%arg18 : memref<!tpu.dma_semaphore, #tpu.memory_space<semaphore_mem>>) {add = true}
    %dma_wait3A_64 = arith.constant 0 : i32
    %dma_wait3A_65 = arith.constant 0 : i32
    %dma_wait3A_66 = tpu.memref_slice %arg9[%dma_wait3A_64, %dma_wait3A_65] : memref<4x128xi32, #tpu.memory_space<vmem>> -> memref<1x128xi32, #tpu.memory_space<vmem>>
    %dma_wait3A_67 = tpu.memref_squeeze %dma_wait3A_66 : memref<1x128xi32, #tpu.memory_space<vmem>> -> memref<128xi32, #tpu.memory_space<vmem>>
    %dma_wait3A_68 = arith.constant 0 : i32
    %dma_wait3A_69 = tpu.memref_slice %arg3[%dma_wait3A_68] : memref<320000xi32, #tpu.memory_space<hbm>> -> memref<128xi32, #tpu.memory_space<hbm>>
    %dma_wait3A_70 = arith.constant 0 : i32
    %dma_wait3A_71 = tpu.memref_slice %arg9[%dma_wait3A_64, %dma_wait3A_70] : memref<4x128xi32, #tpu.memory_space<vmem>> -> memref<1x128xi32, #tpu.memory_space<vmem>>
    %dma_wait3A_72 = tpu.memref_squeeze %dma_wait3A_71 : memref<1x128xi32, #tpu.memory_space<vmem>> -> memref<128xi32, #tpu.memory_space<vmem>>
    %dma_wait3A_73 = arith.constant 0 : i32
    %dma_wait3A_74 = tpu.memref_slice %arg3[%dma_wait3A_73] : memref<320000xi32, #tpu.memory_space<hbm>> -> memref<128xi32, #tpu.memory_space<hbm>>
    tpu.wait_dma2 semaphore(%arg20 : memref<!tpu.dma_semaphore, #tpu.memory_space<semaphore_mem>>) src(%dma_wait3A_74 : memref<128xi32, #tpu.memory_space<hbm>>) dst(%dma_wait3A_72 : memref<128xi32, #tpu.memory_space<vmem>>)
    %dma_wait3A_75 = arith.constant 0 : i32
    %dma_wait3A_76 = arith.constant 0 : i32
    %dma_wait3A_77 = tpu.memref_slice %arg10[%dma_wait3A_75, %dma_wait3A_76] : memref<4x128xi32, #tpu.memory_space<vmem>> -> memref<1x128xi32, #tpu.memory_space<vmem>>
    %dma_wait3A_78 = tpu.memref_squeeze %dma_wait3A_77 : memref<1x128xi32, #tpu.memory_space<vmem>> -> memref<128xi32, #tpu.memory_space<vmem>>
    %dma_wait3A_79 = arith.constant 0 : i32
    %dma_wait3A_80 = tpu.memref_slice %arg4[%dma_wait3A_79] : memref<320000xi32, #tpu.memory_space<hbm>> -> memref<128xi32, #tpu.memory_space<hbm>>
    %dma_wait3A_81 = arith.constant 0 : i32
    %dma_wait3A_82 = tpu.memref_slice %arg10[%dma_wait3A_75, %dma_wait3A_81] : memref<4x128xi32, #tpu.memory_space<vmem>> -> memref<1x128xi32, #tpu.memory_space<vmem>>
    %dma_wait3A_83 = tpu.memref_squeeze %dma_wait3A_82 : memref<1x128xi32, #tpu.memory_space<vmem>> -> memref<128xi32, #tpu.memory_space<vmem>>
    %dma_wait3A_84 = arith.constant 0 : i32
    %dma_wait3A_85 = tpu.memref_slice %arg4[%dma_wait3A_84] : memref<320000xi32, #tpu.memory_space<hbm>> -> memref<128xi32, #tpu.memory_space<hbm>>
    tpu.wait_dma2 semaphore(%arg21 : memref<!tpu.dma_semaphore, #tpu.memory_space<semaphore_mem>>) src(%dma_wait3A_85 : memref<128xi32, #tpu.memory_space<hbm>>) dst(%dma_wait3A_83 : memref<128xi32, #tpu.memory_space<vmem>>)
    %dma_start3A_86 = arith.constant 1 : i32
    %dma_start3A_87 = arith.constant 0 : i32
    %dma_start3A_88 = tpu.memref_slice %arg9[%dma_start3A_86, %dma_start3A_87] : memref<4x128xi32, #tpu.memory_space<vmem>> -> memref<1x64xi32, #tpu.memory_space<vmem>>
    %dma_start3A_89 = tpu.memref_squeeze %dma_start3A_88 : memref<1x64xi32, #tpu.memory_space<vmem>> -> memref<64xi32, #tpu.memory_space<vmem>>
    %dma_start3A_90 = arith.constant 0 : i32
    %dma_start3A_91 = arith.constant 0 : i32
    %dma_start3A_92 = tpu.memref_slice %arg2[%dma_start3A_90, %dma_start3A_91] : memref<10000x128xf32, #tpu.memory_space<hbm>> -> memref<10000x128xf32, #tpu.memory_space<hbm>>
    tpu.enqueue_indirect_dma source(%dma_start3A_92 : memref<10000x128xf32, #tpu.memory_space<hbm>>) target(%arg13 : memref<64x128xf32, #tpu.memory_space<vmem>>) offsets(%dma_start3A_89 : memref<64xi32, #tpu.memory_space<vmem>>) semaphore(%arg16 : memref<!tpu.dma_semaphore, #tpu.memory_space<semaphore_mem>>)
    %dma_wait3A_93 = arith.constant 0 : i32
    %dma_wait3A_94 = arith.constant 64 : i32
    %dma_wait3A_95 = tpu.memref_slice %arg9[%dma_wait3A_93, %dma_wait3A_94] : memref<4x128xi32, #tpu.memory_space<vmem>> -> memref<1x64xi32, #tpu.memory_space<vmem>>
    %dma_wait3A_96 = tpu.memref_squeeze %dma_wait3A_95 : memref<1x64xi32, #tpu.memory_space<vmem>> -> memref<64xi32, #tpu.memory_space<vmem>>
    %dma_wait3A_97 = arith.constant 0 : i32
    %dma_wait3A_98 = arith.constant 0 : i32
    %dma_wait3A_99 = tpu.memref_slice %arg2[%dma_wait3A_97, %dma_wait3A_98] : memref<10000x128xf32, #tpu.memory_space<hbm>> -> memref<10000x128xf32, #tpu.memory_space<hbm>>
    tpu.wait_indirect_dma semaphore(%arg17 : memref<!tpu.dma_semaphore, #tpu.memory_space<semaphore_mem>>) src(%dma_wait3A_99 : memref<10000x128xf32, #tpu.memory_space<hbm>>) dst(%arg12 : memref<64x128xf32, #tpu.memory_space<vmem>>)
    %dma_start3A_100 = arith.constant 0 : i32
    %dma_start3A_101 = arith.constant 64 : i32
    %dma_start3A_102 = tpu.memref_slice %arg10[%dma_start3A_100, %dma_start3A_101] : memref<4x128xi32, #tpu.memory_space<vmem>> -> memref<1x64xi32, #tpu.memory_space<vmem>>
    %dma_start3A_103 = tpu.memref_squeeze %dma_start3A_102 : memref<1x64xi32, #tpu.memory_space<vmem>> -> memref<64xi32, #tpu.memory_space<vmem>>
    %dma_start3A_104 = arith.constant 0 : i32
    %dma_start3A_105 = arith.constant 0 : i32
    %dma_start3A_106 = tpu.memref_slice %arg15[%dma_start3A_104, %dma_start3A_105] : memref<10240x128xf32, #tpu.memory_space<vmem_shared>> -> memref<10240x128xf32, #tpu.memory_space<vmem_shared>>
    tpu.enqueue_indirect_dma source(%arg12 : memref<64x128xf32, #tpu.memory_space<vmem>>) target(%dma_start3A_106 : memref<10240x128xf32, #tpu.memory_space<vmem_shared>>) offsets(%dma_start3A_103 : memref<64xi32, #tpu.memory_space<vmem>>) semaphore(%arg19 : memref<!tpu.dma_semaphore, #tpu.memory_space<semaphore_mem>>) {add = true}
    %dma_start3A_107 = arith.constant 1 : i32
    %dma_start3A_108 = arith.constant 64 : i32
    %dma_start3A_109 = tpu.memref_slice %arg9[%dma_start3A_107, %dma_start3A_108] : memref<4x128xi32, #tpu.memory_space<vmem>> -> memref<1x64xi32, #tpu.memory_space<vmem>>
    %dma_start3A_110 = tpu.memref_squeeze %dma_start3A_109 : memref<1x64xi32, #tpu.memory_space<vmem>> -> memref<64xi32, #tpu.memory_space<vmem>>
    %dma_start3A_111 = arith.constant 0 : i32
    %dma_start3A_112 = arith.constant 0 : i32
    %dma_start3A_113 = tpu.memref_slice %arg2[%dma_start3A_111, %dma_start3A_112] : memref<10000x128xf32, #tpu.memory_space<hbm>> -> memref<10000x128xf32, #tpu.memory_space<hbm>>
    tpu.enqueue_indirect_dma source(%dma_start3A_113 : memref<10000x128xf32, #tpu.memory_space<hbm>>) target(%arg14 : memref<64x128xf32, #tpu.memory_space<vmem>>) offsets(%dma_start3A_110 : memref<64xi32, #tpu.memory_space<vmem>>) semaphore(%arg17 : memref<!tpu.dma_semaphore, #tpu.memory_space<semaphore_mem>>)
    %lt3A = arith.constant 31 : i32
    %lt3A_114 = arith.cmpi slt, %add3A, %lt3A : i32
    %or3A = arith.constant true
    %or3A_115 = arith.ori %lt3A_114, %or3A : i1
    %convert_element_type3A = arith.extui %or3A_115 : i1 to i32
    %cond3A = arith.constant 0 : i32
    %cond3A_116 = arith.cmpi ne, %convert_element_type3A, %cond3A : i32
    scf.if %cond3A_116 {
      %mul3A_207 = arith.constant 10240 : i32
      %mul3A_208 = arith.muli %add3A, %mul3A_207 : i32
      %add3A_209 = arith.constant 256 : i32
      %add3A_210 = arith.addi %mul3A_208, %add3A_209 : i32
      %dma_start3A_211 = arith.constant 2 : i32
      %dma_start3A_212 = arith.constant 0 : i32
      %dma_start3A_213 = tpu.memref_slice %arg9[%dma_start3A_211, %dma_start3A_212] : memref<4x128xi32, #tpu.memory_space<vmem>> -> memref<1x128xi32, #tpu.memory_space<vmem>>
      %dma_start3A_214 = tpu.memref_squeeze %dma_start3A_213 : memref<1x128xi32, #tpu.memory_space<vmem>> -> memref<128xi32, #tpu.memory_space<vmem>>
      %dma_start3A_215 = tpu.memref_slice %arg3[%add3A_210] : memref<320000xi32, #tpu.memory_space<hbm>> -> memref<128xi32, #tpu.memory_space<hbm>>
      %dma_start3A_216 = arith.constant 0 : i32
      %dma_start3A_217 = tpu.memref_slice %arg9[%dma_start3A_211, %dma_start3A_216] : memref<4x128xi32, #tpu.memory_space<vmem>> -> memref<1x128xi32, #tpu.memory_space<vmem>>
      %dma_start3A_218 = tpu.memref_squeeze %dma_start3A_217 : memref<1x128xi32, #tpu.memory_space<vmem>> -> memref<128xi32, #tpu.memory_space<vmem>>
      %dma_start3A_219 = tpu.memref_slice %arg3[%add3A_210] : memref<320000xi32, #tpu.memory_space<hbm>> -> memref<128xi32, #tpu.memory_space<hbm>>
      tpu.enqueue_dma source(%dma_start3A_219 : memref<128xi32, #tpu.memory_space<hbm>>) target(%dma_start3A_218 : memref<128xi32, #tpu.memory_space<vmem>>) target_semaphore(%arg20 : memref<!tpu.dma_semaphore, #tpu.memory_space<semaphore_mem>>)
      %mul3A_220 = arith.constant 10240 : i32
      %mul3A_221 = arith.muli %add3A, %mul3A_220 : i32
      %add3A_222 = arith.constant 256 : i32
      %add3A_223 = arith.addi %mul3A_221, %add3A_222 : i32
      %dma_start3A_224 = arith.constant 2 : i32
      %dma_start3A_225 = arith.constant 0 : i32
      %dma_start3A_226 = tpu.memref_slice %arg10[%dma_start3A_224, %dma_start3A_225] : memref<4x128xi32, #tpu.memory_space<vmem>> -> memref<1x128xi32, #tpu.memory_space<vmem>>
      %dma_start3A_227 = tpu.memref_squeeze %dma_start3A_226 : memref<1x128xi32, #tpu.memory_space<vmem>> -> memref<128xi32, #tpu.memory_space<vmem>>
      %dma_start3A_228 = tpu.memref_slice %arg4[%add3A_223] : memref<320000xi32, #tpu.memory_space<hbm>> -> memref<128xi32, #tpu.memory_space<hbm>>
      %dma_start3A_229 = arith.constant 0 : i32
      %dma_start3A_230 = tpu.memref_slice %arg10[%dma_start3A_224, %dma_start3A_229] : memref<4x128xi32, #tpu.memory_space<vmem>> -> memref<1x128xi32, #tpu.memory_space<vmem>>
      %dma_start3A_231 = tpu.memref_squeeze %dma_start3A_230 : memref<1x128xi32, #tpu.memory_space<vmem>> -> memref<128xi32, #tpu.memory_space<vmem>>
      %dma_start3A_232 = tpu.memref_slice %arg4[%add3A_223] : memref<320000xi32, #tpu.memory_space<hbm>> -> memref<128xi32, #tpu.memory_space<hbm>>
      tpu.enqueue_dma source(%dma_start3A_232 : memref<128xi32, #tpu.memory_space<hbm>>) target(%dma_start3A_231 : memref<128xi32, #tpu.memory_space<vmem>>) target_semaphore(%arg21 : memref<!tpu.dma_semaphore, #tpu.memory_space<semaphore_mem>>)
    } else {
    }
    %not3A = arith.constant true
    %not3A_117 = arith.xori %or3A_115, %not3A : i1
    %convert_element_type3A_118 = arith.extui %not3A_117 : i1 to i32
    %cond3A_119 = arith.constant 0 : i32
    %cond3A_120 = arith.cmpi ne, %convert_element_type3A_118, %cond3A_119 : i32
    scf.if %cond3A_120 {
      %dma_start3A_207 = arith.constant 2 : i32
      %dma_start3A_208 = arith.constant 0 : i32
      %dma_start3A_209 = tpu.memref_slice %arg9[%dma_start3A_207, %dma_start3A_208] : memref<4x128xi32, #tpu.memory_space<vmem>> -> memref<1x128xi32, #tpu.memory_space<vmem>>
      %dma_start3A_210 = tpu.memref_squeeze %dma_start3A_209 : memref<1x128xi32, #tpu.memory_space<vmem>> -> memref<128xi32, #tpu.memory_space<vmem>>
      %dma_start3A_211 = arith.constant -2304 : i32
      %dma_start3A_212 = tpu.memref_slice %arg5[%dma_start3A_211] : memref<7680xi32, #tpu.memory_space<hbm>> -> memref<128xi32, #tpu.memory_space<hbm>>
      %dma_start3A_213 = arith.constant 0 : i32
      %dma_start3A_214 = tpu.memref_slice %arg9[%dma_start3A_207, %dma_start3A_213] : memref<4x128xi32, #tpu.memory_space<vmem>> -> memref<1x128xi32, #tpu.memory_space<vmem>>
      %dma_start3A_215 = tpu.memref_squeeze %dma_start3A_214 : memref<1x128xi32, #tpu.memory_space<vmem>> -> memref<128xi32, #tpu.memory_space<vmem>>
      %dma_start3A_216 = arith.constant -2304 : i32
      %dma_start3A_217 = tpu.memref_slice %arg5[%dma_start3A_216] : memref<7680xi32, #tpu.memory_space<hbm>> -> memref<128xi32, #tpu.memory_space<hbm>>
      tpu.enqueue_dma source(%dma_start3A_217 : memref<128xi32, #tpu.memory_space<hbm>>) target(%dma_start3A_215 : memref<128xi32, #tpu.memory_space<vmem>>) target_semaphore(%arg20 : memref<!tpu.dma_semaphore, #tpu.memory_space<semaphore_mem>>)
      %dma_start3A_218 = arith.constant 2 : i32
      %dma_start3A_219 = arith.constant 0 : i32
      %dma_start3A_220 = tpu.memref_slice %arg10[%dma_start3A_218, %dma_start3A_219] : memref<4x128xi32, #tpu.memory_space<vmem>> -> memref<1x128xi32, #tpu.memory_space<vmem>>
      %dma_start3A_221 = tpu.memref_squeeze %dma_start3A_220 : memref<1x128xi32, #tpu.memory_space<vmem>> -> memref<128xi32, #tpu.memory_space<vmem>>
      %dma_start3A_222 = arith.constant -2304 : i32
      %dma_start3A_223 = tpu.memref_slice %arg6[%dma_start3A_222] : memref<7680xi32, #tpu.memory_space<hbm>> -> memref<128xi32, #tpu.memory_space<hbm>>
      %dma_start3A_224 = arith.constant 0 : i32
      %dma_start3A_225 = tpu.memref_slice %arg10[%dma_start3A_218, %dma_start3A_224] : memref<4x128xi32, #tpu.memory_space<vmem>> -> memref<1x128xi32, #tpu.memory_space<vmem>>
      %dma_start3A_226 = tpu.memref_squeeze %dma_start3A_225 : memref<1x128xi32, #tpu.memory_space<vmem>> -> memref<128xi32, #tpu.memory_space<vmem>>
      %dma_start3A_227 = arith.constant -2304 : i32
      %dma_start3A_228 = tpu.memref_slice %arg6[%dma_start3A_227] : memref<7680xi32, #tpu.memory_space<hbm>> -> memref<128xi32, #tpu.memory_space<hbm>>
      tpu.enqueue_dma source(%dma_start3A_228 : memref<128xi32, #tpu.memory_space<hbm>>) target(%dma_start3A_226 : memref<128xi32, #tpu.memory_space<vmem>>) target_semaphore(%arg21 : memref<!tpu.dma_semaphore, #tpu.memory_space<semaphore_mem>>)
    } else {
    }
    %scan3A = arith.constant 0 : i32
    %scan3A_121 = arith.constant 0 : i32
    %scan3A_122 = arith.constant 39 : i32
    %scan3A_123 = arith.addi %scan3A_121, %scan3A_122 : i32
    %scan3A_124 = arith.constant 1 : i32
    scf.for %scan3A_207 = %scan3A_121 to %scan3A_123 step %scan3A_124  : i32 {
      %mul3A_208 = arith.constant 2 : i32
      %mul3A_209 = arith.muli %mul3A_208, %scan3A_207 : i32
      %add3A_210 = arith.constant 1 : i32
      %add3A_211 = arith.addi %mul3A_209, %add3A_210 : i32
      %dma_wait3A_212 = arith.constant 0 : i32
      %dma_wait3A_213 = arith.constant 0 : i32
      %dma_wait3A_214 = tpu.memref_slice %arg7[%dma_wait3A_212, %dma_wait3A_213] : memref<640x128xf32, #tpu.memory_space<hbm>> -> memref<64x128xf32, #tpu.memory_space<hbm>>
      %dma_wait3A_215 = arith.constant 0 : i32
      %dma_wait3A_216 = arith.constant 0 : i32
      %dma_wait3A_217 = tpu.memref_slice %arg7[%dma_wait3A_215, %dma_wait3A_216] : memref<640x128xf32, #tpu.memory_space<hbm>> -> memref<64x128xf32, #tpu.memory_space<hbm>>
      tpu.wait_dma2 semaphore(%arg16 : memref<!tpu.dma_semaphore, #tpu.memory_space<semaphore_mem>>) src(%dma_wait3A_217 : memref<64x128xf32, #tpu.memory_space<hbm>>) dst(%arg13 : memref<64x128xf32, #tpu.memory_space<vmem>>)
      %dma_wait3A_218 = arith.constant 0 : i32
      %dma_wait3A_219 = arith.constant 0 : i32
      %dma_wait3A_220 = tpu.memref_slice %arg7[%dma_wait3A_218, %dma_wait3A_219] : memref<640x128xf32, #tpu.memory_space<hbm>> -> memref<64x128xf32, #tpu.memory_space<hbm>>
      %dma_wait3A_221 = arith.constant 0 : i32
      %dma_wait3A_222 = arith.constant 0 : i32
      %dma_wait3A_223 = tpu.memref_slice %arg7[%dma_wait3A_221, %dma_wait3A_222] : memref<640x128xf32, #tpu.memory_space<hbm>> -> memref<64x128xf32, #tpu.memory_space<hbm>>
      tpu.wait_dma2 semaphore(%arg18 : memref<!tpu.dma_semaphore, #tpu.memory_space<semaphore_mem>>) src(%dma_wait3A_223 : memref<64x128xf32, #tpu.memory_space<hbm>>) dst(%arg11 : memref<64x128xf32, #tpu.memory_space<vmem>>)
      %jit3A = arith.constant 4 : i32
      %eq3A = arith.constant 0 : i32
      %eq3A_224 = arith.cmpi eq, %jit3A, %eq3A : i32
      %jit3A_225 = arith.constant 1 : i32
      %select_n3A = arith.select %eq3A_224, %jit3A_225, %jit3A : i32
      %rem3A = arith.remsi %add3A_211, %select_n3A : i32
      %ne3A = arith.constant 0 : i32
      %ne3A_226 = arith.cmpi ne, %rem3A, %ne3A : i32
      %lt3A_227 = arith.constant 0 : i32
      %lt3A_228 = arith.cmpi slt, %rem3A, %lt3A_227 : i32
      %lt3A_229 = arith.constant 0 : i32
      %lt3A_230 = arith.cmpi slt, %select_n3A, %lt3A_229 : i32
      %ne3A_231 = arith.xori %lt3A_228, %lt3A_230 : i1
      %and3A = arith.andi %ne3A_231, %ne3A_226 : i1
      %add3A_232 = arith.addi %rem3A, %select_n3A : i32
      %select_n3A_233 = arith.select %and3A, %add3A_232, %rem3A : i32
      %dma_start3A_234 = arith.constant 0 : i32
      %dma_start3A_235 = tpu.memref_slice %arg10[%select_n3A_233, %dma_start3A_234] : memref<4x128xi32, #tpu.memory_space<vmem>> -> memref<1x64xi32, #tpu.memory_space<vmem>>
      %dma_start3A_236 = tpu.memref_squeeze %dma_start3A_235 : memref<1x64xi32, #tpu.memory_space<vmem>> -> memref<64xi32, #tpu.memory_space<vmem>>
      %dma_start3A_237 = arith.constant 0 : i32
      %dma_start3A_238 = arith.constant 0 : i32
      %dma_start3A_239 = tpu.memref_slice %arg15[%dma_start3A_237, %dma_start3A_238] : memref<10240x128xf32, #tpu.memory_space<vmem_shared>> -> memref<10240x128xf32, #tpu.memory_space<vmem_shared>>
      tpu.enqueue_indirect_dma source(%arg13 : memref<64x128xf32, #tpu.memory_space<vmem>>) target(%dma_start3A_239 : memref<10240x128xf32, #tpu.memory_space<vmem_shared>>) offsets(%dma_start3A_236 : memref<64xi32, #tpu.memory_space<vmem>>) semaphore(%arg18 : memref<!tpu.dma_semaphore, #tpu.memory_space<semaphore_mem>>) {add = true}
      %dma_wait3A_240 = arith.constant 0 : i32
      %dma_wait3A_241 = arith.constant 0 : i32
      %dma_wait3A_242 = tpu.memref_slice %arg9[%dma_wait3A_240, %dma_wait3A_241] : memref<4x128xi32, #tpu.memory_space<vmem>> -> memref<1x128xi32, #tpu.memory_space<vmem>>
      %dma_wait3A_243 = tpu.memref_squeeze %dma_wait3A_242 : memref<1x128xi32, #tpu.memory_space<vmem>> -> memref<128xi32, #tpu.memory_space<vmem>>
      %dma_wait3A_244 = arith.constant 0 : i32
      %dma_wait3A_245 = tpu.memref_slice %arg3[%dma_wait3A_244] : memref<320000xi32, #tpu.memory_space<hbm>> -> memref<128xi32, #tpu.memory_space<hbm>>
      %dma_wait3A_246 = arith.constant 0 : i32
      %dma_wait3A_247 = tpu.memref_slice %arg9[%dma_wait3A_240, %dma_wait3A_246] : memref<4x128xi32, #tpu.memory_space<vmem>> -> memref<1x128xi32, #tpu.memory_space<vmem>>
      %dma_wait3A_248 = tpu.memref_squeeze %dma_wait3A_247 : memref<1x128xi32, #tpu.memory_space<vmem>> -> memref<128xi32, #tpu.memory_space<vmem>>
      %dma_wait3A_249 = arith.constant 0 : i32
      %dma_wait3A_250 = tpu.memref_slice %arg3[%dma_wait3A_249] : memref<320000xi32, #tpu.memory_space<hbm>> -> memref<128xi32, #tpu.memory_space<hbm>>
      tpu.wait_dma2 semaphore(%arg20 : memref<!tpu.dma_semaphore, #tpu.memory_space<semaphore_mem>>) src(%dma_wait3A_250 : memref<128xi32, #tpu.memory_space<hbm>>) dst(%dma_wait3A_248 : memref<128xi32, #tpu.memory_space<vmem>>)
      %dma_wait3A_251 = arith.constant 0 : i32
      %dma_wait3A_252 = arith.constant 0 : i32
      %dma_wait3A_253 = tpu.memref_slice %arg10[%dma_wait3A_251, %dma_wait3A_252] : memref<4x128xi32, #tpu.memory_space<vmem>> -> memref<1x128xi32, #tpu.memory_space<vmem>>
      %dma_wait3A_254 = tpu.memref_squeeze %dma_wait3A_253 : memref<1x128xi32, #tpu.memory_space<vmem>> -> memref<128xi32, #tpu.memory_space<vmem>>
      %dma_wait3A_255 = arith.constant 0 : i32
      %dma_wait3A_256 = tpu.memref_slice %arg4[%dma_wait3A_255] : memref<320000xi32, #tpu.memory_space<hbm>> -> memref<128xi32, #tpu.memory_space<hbm>>
      %dma_wait3A_257 = arith.constant 0 : i32
      %dma_wait3A_258 = tpu.memref_slice %arg10[%dma_wait3A_251, %dma_wait3A_257] : memref<4x128xi32, #tpu.memory_space<vmem>> -> memref<1x128xi32, #tpu.memory_space<vmem>>
      %dma_wait3A_259 = tpu.memref_squeeze %dma_wait3A_258 : memref<1x128xi32, #tpu.memory_space<vmem>> -> memref<128xi32, #tpu.memory_space<vmem>>
      %dma_wait3A_260 = arith.constant 0 : i32
      %dma_wait3A_261 = tpu.memref_slice %arg4[%dma_wait3A_260] : memref<320000xi32, #tpu.memory_space<hbm>> -> memref<128xi32, #tpu.memory_space<hbm>>
      tpu.wait_dma2 semaphore(%arg21 : memref<!tpu.dma_semaphore, #tpu.memory_space<semaphore_mem>>) src(%dma_wait3A_261 : memref<128xi32, #tpu.memory_space<hbm>>) dst(%dma_wait3A_259 : memref<128xi32, #tpu.memory_space<vmem>>)
      %add3A_262 = arith.constant 1 : i32
      %add3A_263 = arith.addi %add3A_211, %add3A_262 : i32
      %jit3A_264 = arith.constant 4 : i32
      %eq3A_265 = arith.constant 0 : i32
      %eq3A_266 = arith.cmpi eq, %jit3A_264, %eq3A_265 : i32
      %jit3A_267 = arith.constant 1 : i32
      %select_n3A_268 = arith.select %eq3A_266, %jit3A_267, %jit3A_264 : i32
      %rem3A_269 = arith.remsi %add3A_263, %select_n3A_268 : i32
      %ne3A_270 = arith.constant 0 : i32
      %ne3A_271 = arith.cmpi ne, %rem3A_269, %ne3A_270 : i32
      %lt3A_272 = arith.constant 0 : i32
      %lt3A_273 = arith.cmpi slt, %rem3A_269, %lt3A_272 : i32
      %lt3A_274 = arith.constant 0 : i32
      %lt3A_275 = arith.cmpi slt, %select_n3A_268, %lt3A_274 : i32
      %ne3A_276 = arith.xori %lt3A_273, %lt3A_275 : i1
      %and3A_277 = arith.andi %ne3A_276, %ne3A_271 : i1
      %add3A_278 = arith.addi %rem3A_269, %select_n3A_268 : i32
      %select_n3A_279 = arith.select %and3A_277, %add3A_278, %rem3A_269 : i32
      %dma_start3A_280 = arith.constant 0 : i32
      %dma_start3A_281 = tpu.memref_slice %arg9[%select_n3A_279, %dma_start3A_280] : memref<4x128xi32, #tpu.memory_space<vmem>> -> memref<1x64xi32, #tpu.memory_space<vmem>>
      %dma_start3A_282 = tpu.memref_squeeze %dma_start3A_281 : memref<1x64xi32, #tpu.memory_space<vmem>> -> memref<64xi32, #tpu.memory_space<vmem>>
      %dma_start3A_283 = arith.constant 0 : i32
      %dma_start3A_284 = arith.constant 0 : i32
      %dma_start3A_285 = tpu.memref_slice %arg2[%dma_start3A_283, %dma_start3A_284] : memref<10000x128xf32, #tpu.memory_space<hbm>> -> memref<10000x128xf32, #tpu.memory_space<hbm>>
      tpu.enqueue_indirect_dma source(%dma_start3A_285 : memref<10000x128xf32, #tpu.memory_space<hbm>>) target(%arg11 : memref<64x128xf32, #tpu.memory_space<vmem>>) offsets(%dma_start3A_282 : memref<64xi32, #tpu.memory_space<vmem>>) semaphore(%arg16 : memref<!tpu.dma_semaphore, #tpu.memory_space<semaphore_mem>>)
      %dma_wait3A_286 = arith.constant 0 : i32
      %dma_wait3A_287 = arith.constant 0 : i32
      %dma_wait3A_288 = tpu.memref_slice %arg7[%dma_wait3A_286, %dma_wait3A_287] : memref<640x128xf32, #tpu.memory_space<hbm>> -> memref<64x128xf32, #tpu.memory_space<hbm>>
      %dma_wait3A_289 = arith.constant 0 : i32
      %dma_wait3A_290 = arith.constant 0 : i32
      %dma_wait3A_291 = tpu.memref_slice %arg7[%dma_wait3A_289, %dma_wait3A_290] : memref<640x128xf32, #tpu.memory_space<hbm>> -> memref<64x128xf32, #tpu.memory_space<hbm>>
      tpu.wait_dma2 semaphore(%arg17 : memref<!tpu.dma_semaphore, #tpu.memory_space<semaphore_mem>>) src(%dma_wait3A_291 : memref<64x128xf32, #tpu.memory_space<hbm>>) dst(%arg14 : memref<64x128xf32, #tpu.memory_space<vmem>>)
      %dma_wait3A_292 = arith.constant 0 : i32
      %dma_wait3A_293 = arith.constant 0 : i32
      %dma_wait3A_294 = tpu.memref_slice %arg7[%dma_wait3A_292, %dma_wait3A_293] : memref<640x128xf32, #tpu.memory_space<hbm>> -> memref<64x128xf32, #tpu.memory_space<hbm>>
      %dma_wait3A_295 = arith.constant 0 : i32
      %dma_wait3A_296 = arith.constant 0 : i32
      %dma_wait3A_297 = tpu.memref_slice %arg7[%dma_wait3A_295, %dma_wait3A_296] : memref<640x128xf32, #tpu.memory_space<hbm>> -> memref<64x128xf32, #tpu.memory_space<hbm>>
      tpu.wait_dma2 semaphore(%arg19 : memref<!tpu.dma_semaphore, #tpu.memory_space<semaphore_mem>>) src(%dma_wait3A_297 : memref<64x128xf32, #tpu.memory_space<hbm>>) dst(%arg12 : memref<64x128xf32, #tpu.memory_space<vmem>>)
      %jit3A_298 = arith.constant 4 : i32
      %eq3A_299 = arith.constant 0 : i32
      %eq3A_300 = arith.cmpi eq, %jit3A_298, %eq3A_299 : i32
      %jit3A_301 = arith.constant 1 : i32
      %select_n3A_302 = arith.select %eq3A_300, %jit3A_301, %jit3A_298 : i32
      %rem3A_303 = arith.remsi %add3A_211, %select_n3A_302 : i32
      %ne3A_304 = arith.constant 0 : i32
      %ne3A_305 = arith.cmpi ne, %rem3A_303, %ne3A_304 : i32
      %lt3A_306 = arith.constant 0 : i32
      %lt3A_307 = arith.cmpi slt, %rem3A_303, %lt3A_306 : i32
      %lt3A_308 = arith.constant 0 : i32
      %lt3A_309 = arith.cmpi slt, %select_n3A_302, %lt3A_308 : i32
      %ne3A_310 = arith.xori %lt3A_307, %lt3A_309 : i1
      %and3A_311 = arith.andi %ne3A_310, %ne3A_305 : i1
      %add3A_312 = arith.addi %rem3A_303, %select_n3A_302 : i32
      %select_n3A_313 = arith.select %and3A_311, %add3A_312, %rem3A_303 : i32
      %dma_start3A_314 = arith.constant 64 : i32
      %dma_start3A_315 = tpu.memref_slice %arg10[%select_n3A_313, %dma_start3A_314] : memref<4x128xi32, #tpu.memory_space<vmem>> -> memref<1x64xi32, #tpu.memory_space<vmem>>
      %dma_start3A_316 = tpu.memref_squeeze %dma_start3A_315 : memref<1x64xi32, #tpu.memory_space<vmem>> -> memref<64xi32, #tpu.memory_space<vmem>>
      %dma_start3A_317 = arith.constant 0 : i32
      %dma_start3A_318 = arith.constant 0 : i32
      %dma_start3A_319 = tpu.memref_slice %arg15[%dma_start3A_317, %dma_start3A_318] : memref<10240x128xf32, #tpu.memory_space<vmem_shared>> -> memref<10240x128xf32, #tpu.memory_space<vmem_shared>>
      tpu.enqueue_indirect_dma source(%arg14 : memref<64x128xf32, #tpu.memory_space<vmem>>) target(%dma_start3A_319 : memref<10240x128xf32, #tpu.memory_space<vmem_shared>>) offsets(%dma_start3A_316 : memref<64xi32, #tpu.memory_space<vmem>>) semaphore(%arg19 : memref<!tpu.dma_semaphore, #tpu.memory_space<semaphore_mem>>) {add = true}
      %add3A_320 = arith.constant 1 : i32
      %add3A_321 = arith.addi %add3A_211, %add3A_320 : i32
      %jit3A_322 = arith.constant 4 : i32
      %eq3A_323 = arith.constant 0 : i32
      %eq3A_324 = arith.cmpi eq, %jit3A_322, %eq3A_323 : i32
      %jit3A_325 = arith.constant 1 : i32
      %select_n3A_326 = arith.select %eq3A_324, %jit3A_325, %jit3A_322 : i32
      %rem3A_327 = arith.remsi %add3A_321, %select_n3A_326 : i32
      %ne3A_328 = arith.constant 0 : i32
      %ne3A_329 = arith.cmpi ne, %rem3A_327, %ne3A_328 : i32
      %lt3A_330 = arith.constant 0 : i32
      %lt3A_331 = arith.cmpi slt, %rem3A_327, %lt3A_330 : i32
      %lt3A_332 = arith.constant 0 : i32
      %lt3A_333 = arith.cmpi slt, %select_n3A_326, %lt3A_332 : i32
      %ne3A_334 = arith.xori %lt3A_331, %lt3A_333 : i1
      %and3A_335 = arith.andi %ne3A_334, %ne3A_329 : i1
      %add3A_336 = arith.addi %rem3A_327, %select_n3A_326 : i32
      %select_n3A_337 = arith.select %and3A_335, %add3A_336, %rem3A_327 : i32
      %dma_start3A_338 = arith.constant 64 : i32
      %dma_start3A_339 = tpu.memref_slice %arg9[%select_n3A_337, %dma_start3A_338] : memref<4x128xi32, #tpu.memory_space<vmem>> -> memref<1x64xi32, #tpu.memory_space<vmem>>
      %dma_start3A_340 = tpu.memref_squeeze %dma_start3A_339 : memref<1x64xi32, #tpu.memory_space<vmem>> -> memref<64xi32, #tpu.memory_space<vmem>>
      %dma_start3A_341 = arith.constant 0 : i32
      %dma_start3A_342 = arith.constant 0 : i32
      %dma_start3A_343 = tpu.memref_slice %arg2[%dma_start3A_341, %dma_start3A_342] : memref<10000x128xf32, #tpu.memory_space<hbm>> -> memref<10000x128xf32, #tpu.memory_space<hbm>>
      tpu.enqueue_indirect_dma source(%dma_start3A_343 : memref<10000x128xf32, #tpu.memory_space<hbm>>) target(%arg12 : memref<64x128xf32, #tpu.memory_space<vmem>>) offsets(%dma_start3A_340 : memref<64xi32, #tpu.memory_space<vmem>>) semaphore(%arg17 : memref<!tpu.dma_semaphore, #tpu.memory_space<semaphore_mem>>)
      %add3A_344 = arith.constant 2 : i32
      %add3A_345 = arith.addi %add3A_211, %add3A_344 : i32
      %min3A_346 = arith.constant 79 : i32
      %min3A_347 = arith.minsi %add3A_345, %min3A_346 : i32
      %add3A_348 = arith.constant 2 : i32
      %add3A_349 = arith.addi %add3A_211, %add3A_348 : i32
      %jit3A_350 = arith.constant 4 : i32
      %eq3A_351 = arith.constant 0 : i32
      %eq3A_352 = arith.cmpi eq, %jit3A_350, %eq3A_351 : i32
      %jit3A_353 = arith.constant 1 : i32
      %select_n3A_354 = arith.select %eq3A_352, %jit3A_353, %jit3A_350 : i32
      %rem3A_355 = arith.remsi %add3A_349, %select_n3A_354 : i32
      %ne3A_356 = arith.constant 0 : i32
      %ne3A_357 = arith.cmpi ne, %rem3A_355, %ne3A_356 : i32
      %lt3A_358 = arith.constant 0 : i32
      %lt3A_359 = arith.cmpi slt, %rem3A_355, %lt3A_358 : i32
      %lt3A_360 = arith.constant 0 : i32
      %lt3A_361 = arith.cmpi slt, %select_n3A_354, %lt3A_360 : i32
      %ne3A_362 = arith.xori %lt3A_359, %lt3A_361 : i1
      %and3A_363 = arith.andi %ne3A_362, %ne3A_357 : i1
      %add3A_364 = arith.addi %rem3A_355, %select_n3A_354 : i32
      %select_n3A_365 = arith.select %and3A_363, %add3A_364, %rem3A_355 : i32
      %lt3A_366 = arith.constant 31 : i32
      %lt3A_367 = arith.cmpi slt, %add3A, %lt3A_366 : i32
      %lt3A_368 = arith.constant 20 : i32
      %lt3A_369 = arith.cmpi slt, %min3A_347, %lt3A_368 : i32
      %or3A_370 = arith.ori %lt3A_367, %lt3A_369 : i1
      %convert_element_type3A_371 = arith.extui %or3A_370 : i1 to i32
      %cond3A_372 = arith.constant 0 : i32
      %cond3A_373 = arith.cmpi ne, %convert_element_type3A_371, %cond3A_372 : i32
      scf.if %cond3A_373 {
        %mul3A_560 = arith.constant 10240 : i32
        %mul3A_561 = arith.muli %add3A, %mul3A_560 : i32
        %mul3A_562 = arith.constant 2 : i32
        %mul3A_563 = arith.muli %min3A_347, %mul3A_562 : i32
        %mul3A_564 = arith.constant 64 : i32
        %mul3A_565 = arith.muli %mul3A_563, %mul3A_564 : i32
        %add3A_566 = arith.addi %mul3A_561, %mul3A_565 : i32
        %dma_start3A_567 = arith.constant 0 : i32
        %dma_start3A_568 = tpu.memref_slice %arg9[%select_n3A_365, %dma_start3A_567] : memref<4x128xi32, #tpu.memory_space<vmem>> -> memref<1x128xi32, #tpu.memory_space<vmem>>
        %dma_start3A_569 = tpu.memref_squeeze %dma_start3A_568 : memref<1x128xi32, #tpu.memory_space<vmem>> -> memref<128xi32, #tpu.memory_space<vmem>>
        %dma_start3A_570 = tpu.memref_slice %arg3[%add3A_566] : memref<320000xi32, #tpu.memory_space<hbm>> -> memref<128xi32, #tpu.memory_space<hbm>>
        %dma_start3A_571 = arith.constant 0 : i32
        %dma_start3A_572 = tpu.memref_slice %arg9[%select_n3A_365, %dma_start3A_571] : memref<4x128xi32, #tpu.memory_space<vmem>> -> memref<1x128xi32, #tpu.memory_space<vmem>>
        %dma_start3A_573 = tpu.memref_squeeze %dma_start3A_572 : memref<1x128xi32, #tpu.memory_space<vmem>> -> memref<128xi32, #tpu.memory_space<vmem>>
        %dma_start3A_574 = tpu.memref_slice %arg3[%add3A_566] : memref<320000xi32, #tpu.memory_space<hbm>> -> memref<128xi32, #tpu.memory_space<hbm>>
        tpu.enqueue_dma source(%dma_start3A_574 : memref<128xi32, #tpu.memory_space<hbm>>) target(%dma_start3A_573 : memref<128xi32, #tpu.memory_space<vmem>>) target_semaphore(%arg20 : memref<!tpu.dma_semaphore, #tpu.memory_space<semaphore_mem>>)
        %mul3A_575 = arith.constant 10240 : i32
        %mul3A_576 = arith.muli %add3A, %mul3A_575 : i32
        %mul3A_577 = arith.constant 2 : i32
        %mul3A_578 = arith.muli %min3A_347, %mul3A_577 : i32
        %mul3A_579 = arith.constant 64 : i32
        %mul3A_580 = arith.muli %mul3A_578, %mul3A_579 : i32
        %add3A_581 = arith.addi %mul3A_576, %mul3A_580 : i32
        %dma_start3A_582 = arith.constant 0 : i32
        %dma_start3A_583 = tpu.memref_slice %arg10[%select_n3A_365, %dma_start3A_582] : memref<4x128xi32, #tpu.memory_space<vmem>> -> memref<1x128xi32, #tpu.memory_space<vmem>>
        %dma_start3A_584 = tpu.memref_squeeze %dma_start3A_583 : memref<1x128xi32, #tpu.memory_space<vmem>> -> memref<128xi32, #tpu.memory_space<vmem>>
        %dma_start3A_585 = tpu.memref_slice %arg4[%add3A_581] : memref<320000xi32, #tpu.memory_space<hbm>> -> memref<128xi32, #tpu.memory_space<hbm>>
        %dma_start3A_586 = arith.constant 0 : i32
        %dma_start3A_587 = tpu.memref_slice %arg10[%select_n3A_365, %dma_start3A_586] : memref<4x128xi32, #tpu.memory_space<vmem>> -> memref<1x128xi32, #tpu.memory_space<vmem>>
        %dma_start3A_588 = tpu.memref_squeeze %dma_start3A_587 : memref<1x128xi32, #tpu.memory_space<vmem>> -> memref<128xi32, #tpu.memory_space<vmem>>
        %dma_start3A_589 = tpu.memref_slice %arg4[%add3A_581] : memref<320000xi32, #tpu.memory_space<hbm>> -> memref<128xi32, #tpu.memory_space<hbm>>
        tpu.enqueue_dma source(%dma_start3A_589 : memref<128xi32, #tpu.memory_space<hbm>>) target(%dma_start3A_588 : memref<128xi32, #tpu.memory_space<vmem>>) target_semaphore(%arg21 : memref<!tpu.dma_semaphore, #tpu.memory_space<semaphore_mem>>)
      } else {
      }
      %not3A_374 = arith.constant true
      %not3A_375 = arith.xori %or3A_370, %not3A_374 : i1
      %convert_element_type3A_376 = arith.extui %not3A_375 : i1 to i32
      %cond3A_377 = arith.constant 0 : i32
      %cond3A_378 = arith.cmpi ne, %convert_element_type3A_376, %cond3A_377 : i32
      scf.if %cond3A_378 {
        %sub3A = arith.constant 20 : i32
        %sub3A_560 = arith.subi %min3A_347, %sub3A : i32
        %mul3A_561 = arith.constant 2 : i32
        %mul3A_562 = arith.muli %sub3A_560, %mul3A_561 : i32
        %mul3A_563 = arith.constant 64 : i32
        %mul3A_564 = arith.muli %mul3A_562, %mul3A_563 : i32
        %dma_start3A_565 = arith.constant 0 : i32
        %dma_start3A_566 = tpu.memref_slice %arg9[%select_n3A_365, %dma_start3A_565] : memref<4x128xi32, #tpu.memory_space<vmem>> -> memref<1x128xi32, #tpu.memory_space<vmem>>
        %dma_start3A_567 = tpu.memref_squeeze %dma_start3A_566 : memref<1x128xi32, #tpu.memory_space<vmem>> -> memref<128xi32, #tpu.memory_space<vmem>>
        %dma_start3A_568 = tpu.memref_slice %arg5[%mul3A_564] : memref<7680xi32, #tpu.memory_space<hbm>> -> memref<128xi32, #tpu.memory_space<hbm>>
        %dma_start3A_569 = arith.constant 0 : i32
        %dma_start3A_570 = tpu.memref_slice %arg9[%select_n3A_365, %dma_start3A_569] : memref<4x128xi32, #tpu.memory_space<vmem>> -> memref<1x128xi32, #tpu.memory_space<vmem>>
        %dma_start3A_571 = tpu.memref_squeeze %dma_start3A_570 : memref<1x128xi32, #tpu.memory_space<vmem>> -> memref<128xi32, #tpu.memory_space<vmem>>
        %dma_start3A_572 = tpu.memref_slice %arg5[%mul3A_564] : memref<7680xi32, #tpu.memory_space<hbm>> -> memref<128xi32, #tpu.memory_space<hbm>>
        tpu.enqueue_dma source(%dma_start3A_572 : memref<128xi32, #tpu.memory_space<hbm>>) target(%dma_start3A_571 : memref<128xi32, #tpu.memory_space<vmem>>) target_semaphore(%arg20 : memref<!tpu.dma_semaphore, #tpu.memory_space<semaphore_mem>>)
        %sub3A_573 = arith.constant 20 : i32
        %sub3A_574 = arith.subi %min3A_347, %sub3A_573 : i32
        %mul3A_575 = arith.constant 2 : i32
        %mul3A_576 = arith.muli %sub3A_574, %mul3A_575 : i32
        %mul3A_577 = arith.constant 64 : i32
        %mul3A_578 = arith.muli %mul3A_576, %mul3A_577 : i32
        %dma_start3A_579 = arith.constant 0 : i32
        %dma_start3A_580 = tpu.memref_slice %arg10[%select_n3A_365, %dma_start3A_579] : memref<4x128xi32, #tpu.memory_space<vmem>> -> memref<1x128xi32, #tpu.memory_space<vmem>>
        %dma_start3A_581 = tpu.memref_squeeze %dma_start3A_580 : memref<1x128xi32, #tpu.memory_space<vmem>> -> memref<128xi32, #tpu.memory_space<vmem>>
        %dma_start3A_582 = tpu.memref_slice %arg6[%mul3A_578] : memref<7680xi32, #tpu.memory_space<hbm>> -> memref<128xi32, #tpu.memory_space<hbm>>
        %dma_start3A_583 = arith.constant 0 : i32
        %dma_start3A_584 = tpu.memref_slice %arg10[%select_n3A_365, %dma_start3A_583] : memref<4x128xi32, #tpu.memory_space<vmem>> -> memref<1x128xi32, #tpu.memory_space<vmem>>
        %dma_start3A_585 = tpu.memref_squeeze %dma_start3A_584 : memref<1x128xi32, #tpu.memory_space<vmem>> -> memref<128xi32, #tpu.memory_space<vmem>>
        %dma_start3A_586 = tpu.memref_slice %arg6[%mul3A_578] : memref<7680xi32, #tpu.memory_space<hbm>> -> memref<128xi32, #tpu.memory_space<hbm>>
        tpu.enqueue_dma source(%dma_start3A_586 : memref<128xi32, #tpu.memory_space<hbm>>) target(%dma_start3A_585 : memref<128xi32, #tpu.memory_space<vmem>>) target_semaphore(%arg21 : memref<!tpu.dma_semaphore, #tpu.memory_space<semaphore_mem>>)
      } else {
      }
      %dma_wait3A_379 = arith.constant 0 : i32
      %dma_wait3A_380 = tpu.memref_slice %arg9[%select_n3A_279, %dma_wait3A_379] : memref<4x128xi32, #tpu.memory_space<vmem>> -> memref<1x64xi32, #tpu.memory_space<vmem>>
      %dma_wait3A_381 = tpu.memref_squeeze %dma_wait3A_380 : memref<1x64xi32, #tpu.memory_space<vmem>> -> memref<64xi32, #tpu.memory_space<vmem>>
      %dma_wait3A_382 = arith.constant 0 : i32
      %dma_wait3A_383 = arith.constant 0 : i32
      %dma_wait3A_384 = tpu.memref_slice %arg2[%dma_wait3A_382, %dma_wait3A_383] : memref<10000x128xf32, #tpu.memory_space<hbm>> -> memref<10000x128xf32, #tpu.memory_space<hbm>>
      tpu.wait_indirect_dma semaphore(%arg16 : memref<!tpu.dma_semaphore, #tpu.memory_space<semaphore_mem>>) src(%dma_wait3A_384 : memref<10000x128xf32, #tpu.memory_space<hbm>>) dst(%arg11 : memref<64x128xf32, #tpu.memory_space<vmem>>)
      %dma_wait3A_385 = arith.constant 0 : i32
      %dma_wait3A_386 = tpu.memref_slice %arg10[%select_n3A_233, %dma_wait3A_385] : memref<4x128xi32, #tpu.memory_space<vmem>> -> memref<1x64xi32, #tpu.memory_space<vmem>>
      %dma_wait3A_387 = tpu.memref_squeeze %dma_wait3A_386 : memref<1x64xi32, #tpu.memory_space<vmem>> -> memref<64xi32, #tpu.memory_space<vmem>>
      %dma_wait3A_388 = arith.constant 0 : i32
      %dma_wait3A_389 = arith.constant 0 : i32
      %dma_wait3A_390 = tpu.memref_slice %arg15[%dma_wait3A_388, %dma_wait3A_389] : memref<10240x128xf32, #tpu.memory_space<vmem_shared>> -> memref<10240x128xf32, #tpu.memory_space<vmem_shared>>
      tpu.wait_indirect_dma semaphore(%arg18 : memref<!tpu.dma_semaphore, #tpu.memory_space<semaphore_mem>>) src(%arg13 : memref<64x128xf32, #tpu.memory_space<vmem>>) dst(%dma_wait3A_390 : memref<10240x128xf32, #tpu.memory_space<vmem_shared>>)
      %add3A_391 = arith.constant 1 : i32
      %add3A_392 = arith.addi %add3A_211, %add3A_391 : i32
      %jit3A_393 = arith.constant 4 : i32
      %eq3A_394 = arith.constant 0 : i32
      %eq3A_395 = arith.cmpi eq, %jit3A_393, %eq3A_394 : i32
      %jit3A_396 = arith.constant 1 : i32
      %select_n3A_397 = arith.select %eq3A_395, %jit3A_396, %jit3A_393 : i32
      %rem3A_398 = arith.remsi %add3A_392, %select_n3A_397 : i32
      %ne3A_399 = arith.constant 0 : i32
      %ne3A_400 = arith.cmpi ne, %rem3A_398, %ne3A_399 : i32
      %lt3A_401 = arith.constant 0 : i32
      %lt3A_402 = arith.cmpi slt, %rem3A_398, %lt3A_401 : i32
      %lt3A_403 = arith.constant 0 : i32
      %lt3A_404 = arith.cmpi slt, %select_n3A_397, %lt3A_403 : i32
      %ne3A_405 = arith.xori %lt3A_402, %lt3A_404 : i1
      %and3A_406 = arith.andi %ne3A_405, %ne3A_400 : i1
      %add3A_407 = arith.addi %rem3A_398, %select_n3A_397 : i32
      %select_n3A_408 = arith.select %and3A_406, %add3A_407, %rem3A_398 : i32
      %dma_start3A_409 = arith.constant 0 : i32
      %dma_start3A_410 = tpu.memref_slice %arg10[%select_n3A_408, %dma_start3A_409] : memref<4x128xi32, #tpu.memory_space<vmem>> -> memref<1x64xi32, #tpu.memory_space<vmem>>
      %dma_start3A_411 = tpu.memref_squeeze %dma_start3A_410 : memref<1x64xi32, #tpu.memory_space<vmem>> -> memref<64xi32, #tpu.memory_space<vmem>>
      %dma_start3A_412 = arith.constant 0 : i32
      %dma_start3A_413 = arith.constant 0 : i32
      %dma_start3A_414 = tpu.memref_slice %arg15[%dma_start3A_412, %dma_start3A_413] : memref<10240x128xf32, #tpu.memory_space<vmem_shared>> -> memref<10240x128xf32, #tpu.memory_space<vmem_shared>>
      tpu.enqueue_indirect_dma source(%arg11 : memref<64x128xf32, #tpu.memory_space<vmem>>) target(%dma_start3A_414 : memref<10240x128xf32, #tpu.memory_space<vmem_shared>>) offsets(%dma_start3A_411 : memref<64xi32, #tpu.memory_space<vmem>>) semaphore(%arg18 : memref<!tpu.dma_semaphore, #tpu.memory_space<semaphore_mem>>) {add = true}
      %dma_wait3A_415 = arith.constant 0 : i32
      %dma_wait3A_416 = arith.constant 0 : i32
      %dma_wait3A_417 = tpu.memref_slice %arg9[%dma_wait3A_415, %dma_wait3A_416] : memref<4x128xi32, #tpu.memory_space<vmem>> -> memref<1x128xi32, #tpu.memory_space<vmem>>
      %dma_wait3A_418 = tpu.memref_squeeze %dma_wait3A_417 : memref<1x128xi32, #tpu.memory_space<vmem>> -> memref<128xi32, #tpu.memory_space<vmem>>
      %dma_wait3A_419 = arith.constant 0 : i32
      %dma_wait3A_420 = tpu.memref_slice %arg3[%dma_wait3A_419] : memref<320000xi32, #tpu.memory_space<hbm>> -> memref<128xi32, #tpu.memory_space<hbm>>
      %dma_wait3A_421 = arith.constant 0 : i32
      %dma_wait3A_422 = tpu.memref_slice %arg9[%dma_wait3A_415, %dma_wait3A_421] : memref<4x128xi32, #tpu.memory_space<vmem>> -> memref<1x128xi32, #tpu.memory_space<vmem>>
      %dma_wait3A_423 = tpu.memref_squeeze %dma_wait3A_422 : memref<1x128xi32, #tpu.memory_space<vmem>> -> memref<128xi32, #tpu.memory_space<vmem>>
      %dma_wait3A_424 = arith.constant 0 : i32
      %dma_wait3A_425 = tpu.memref_slice %arg3[%dma_wait3A_424] : memref<320000xi32, #tpu.memory_space<hbm>> -> memref<128xi32, #tpu.memory_space<hbm>>
      tpu.wait_dma2 semaphore(%arg20 : memref<!tpu.dma_semaphore, #tpu.memory_space<semaphore_mem>>) src(%dma_wait3A_425 : memref<128xi32, #tpu.memory_space<hbm>>) dst(%dma_wait3A_423 : memref<128xi32, #tpu.memory_space<vmem>>)
      %dma_wait3A_426 = arith.constant 0 : i32
      %dma_wait3A_427 = arith.constant 0 : i32
      %dma_wait3A_428 = tpu.memref_slice %arg10[%dma_wait3A_426, %dma_wait3A_427] : memref<4x128xi32, #tpu.memory_space<vmem>> -> memref<1x128xi32, #tpu.memory_space<vmem>>
      %dma_wait3A_429 = tpu.memref_squeeze %dma_wait3A_428 : memref<1x128xi32, #tpu.memory_space<vmem>> -> memref<128xi32, #tpu.memory_space<vmem>>
      %dma_wait3A_430 = arith.constant 0 : i32
      %dma_wait3A_431 = tpu.memref_slice %arg4[%dma_wait3A_430] : memref<320000xi32, #tpu.memory_space<hbm>> -> memref<128xi32, #tpu.memory_space<hbm>>
      %dma_wait3A_432 = arith.constant 0 : i32
      %dma_wait3A_433 = tpu.memref_slice %arg10[%dma_wait3A_426, %dma_wait3A_432] : memref<4x128xi32, #tpu.memory_space<vmem>> -> memref<1x128xi32, #tpu.memory_space<vmem>>
      %dma_wait3A_434 = tpu.memref_squeeze %dma_wait3A_433 : memref<1x128xi32, #tpu.memory_space<vmem>> -> memref<128xi32, #tpu.memory_space<vmem>>
      %dma_wait3A_435 = arith.constant 0 : i32
      %dma_wait3A_436 = tpu.memref_slice %arg4[%dma_wait3A_435] : memref<320000xi32, #tpu.memory_space<hbm>> -> memref<128xi32, #tpu.memory_space<hbm>>
      tpu.wait_dma2 semaphore(%arg21 : memref<!tpu.dma_semaphore, #tpu.memory_space<semaphore_mem>>) src(%dma_wait3A_436 : memref<128xi32, #tpu.memory_space<hbm>>) dst(%dma_wait3A_434 : memref<128xi32, #tpu.memory_space<vmem>>)
      %add3A_437 = arith.constant 2 : i32
      %add3A_438 = arith.addi %add3A_211, %add3A_437 : i32
      %min3A_439 = arith.constant 79 : i32
      %min3A_440 = arith.minsi %add3A_438, %min3A_439 : i32
      %jit3A_441 = arith.constant 4 : i32
      %eq3A_442 = arith.constant 0 : i32
      %eq3A_443 = arith.cmpi eq, %jit3A_441, %eq3A_442 : i32
      %jit3A_444 = arith.constant 1 : i32
      %select_n3A_445 = arith.select %eq3A_443, %jit3A_444, %jit3A_441 : i32
      %rem3A_446 = arith.remsi %min3A_440, %select_n3A_445 : i32
      %ne3A_447 = arith.constant 0 : i32
      %ne3A_448 = arith.cmpi ne, %rem3A_446, %ne3A_447 : i32
      %lt3A_449 = arith.constant 0 : i32
      %lt3A_450 = arith.cmpi slt, %rem3A_446, %lt3A_449 : i32
      %lt3A_451 = arith.constant 0 : i32
      %lt3A_452 = arith.cmpi slt, %select_n3A_445, %lt3A_451 : i32
      %ne3A_453 = arith.xori %lt3A_450, %lt3A_452 : i1
      %and3A_454 = arith.andi %ne3A_453, %ne3A_448 : i1
      %add3A_455 = arith.addi %rem3A_446, %select_n3A_445 : i32
      %select_n3A_456 = arith.select %and3A_454, %add3A_455, %rem3A_446 : i32
      %dma_start3A_457 = arith.constant 0 : i32
      %dma_start3A_458 = tpu.memref_slice %arg9[%select_n3A_456, %dma_start3A_457] : memref<4x128xi32, #tpu.memory_space<vmem>> -> memref<1x64xi32, #tpu.memory_space<vmem>>
      %dma_start3A_459 = tpu.memref_squeeze %dma_start3A_458 : memref<1x64xi32, #tpu.memory_space<vmem>> -> memref<64xi32, #tpu.memory_space<vmem>>
      %dma_start3A_460 = arith.constant 0 : i32
      %dma_start3A_461 = arith.constant 0 : i32
      %dma_start3A_462 = tpu.memref_slice %arg2[%dma_start3A_460, %dma_start3A_461] : memref<10000x128xf32, #tpu.memory_space<hbm>> -> memref<10000x128xf32, #tpu.memory_space<hbm>>
      tpu.enqueue_indirect_dma source(%dma_start3A_462 : memref<10000x128xf32, #tpu.memory_space<hbm>>) target(%arg13 : memref<64x128xf32, #tpu.memory_space<vmem>>) offsets(%dma_start3A_459 : memref<64xi32, #tpu.memory_space<vmem>>) semaphore(%arg16 : memref<!tpu.dma_semaphore, #tpu.memory_space<semaphore_mem>>)
      %dma_wait3A_463 = arith.constant 64 : i32
      %dma_wait3A_464 = tpu.memref_slice %arg9[%select_n3A_337, %dma_wait3A_463] : memref<4x128xi32, #tpu.memory_space<vmem>> -> memref<1x64xi32, #tpu.memory_space<vmem>>
      %dma_wait3A_465 = tpu.memref_squeeze %dma_wait3A_464 : memref<1x64xi32, #tpu.memory_space<vmem>> -> memref<64xi32, #tpu.memory_space<vmem>>
      %dma_wait3A_466 = arith.constant 0 : i32
      %dma_wait3A_467 = arith.constant 0 : i32
      %dma_wait3A_468 = tpu.memref_slice %arg2[%dma_wait3A_466, %dma_wait3A_467] : memref<10000x128xf32, #tpu.memory_space<hbm>> -> memref<10000x128xf32, #tpu.memory_space<hbm>>
      tpu.wait_indirect_dma semaphore(%arg17 : memref<!tpu.dma_semaphore, #tpu.memory_space<semaphore_mem>>) src(%dma_wait3A_468 : memref<10000x128xf32, #tpu.memory_space<hbm>>) dst(%arg12 : memref<64x128xf32, #tpu.memory_space<vmem>>)
      %dma_wait3A_469 = arith.constant 64 : i32
      %dma_wait3A_470 = tpu.memref_slice %arg10[%select_n3A_313, %dma_wait3A_469] : memref<4x128xi32, #tpu.memory_space<vmem>> -> memref<1x64xi32, #tpu.memory_space<vmem>>
      %dma_wait3A_471 = tpu.memref_squeeze %dma_wait3A_470 : memref<1x64xi32, #tpu.memory_space<vmem>> -> memref<64xi32, #tpu.memory_space<vmem>>
      %dma_wait3A_472 = arith.constant 0 : i32
      %dma_wait3A_473 = arith.constant 0 : i32
      %dma_wait3A_474 = tpu.memref_slice %arg15[%dma_wait3A_472, %dma_wait3A_473] : memref<10240x128xf32, #tpu.memory_space<vmem_shared>> -> memref<10240x128xf32, #tpu.memory_space<vmem_shared>>
      tpu.wait_indirect_dma semaphore(%arg19 : memref<!tpu.dma_semaphore, #tpu.memory_space<semaphore_mem>>) src(%arg14 : memref<64x128xf32, #tpu.memory_space<vmem>>) dst(%dma_wait3A_474 : memref<10240x128xf32, #tpu.memory_space<vmem_shared>>)
      %add3A_475 = arith.constant 1 : i32
      %add3A_476 = arith.addi %add3A_211, %add3A_475 : i32
      %jit3A_477 = arith.constant 4 : i32
      %eq3A_478 = arith.constant 0 : i32
      %eq3A_479 = arith.cmpi eq, %jit3A_477, %eq3A_478 : i32
      %jit3A_480 = arith.constant 1 : i32
      %select_n3A_481 = arith.select %eq3A_479, %jit3A_480, %jit3A_477 : i32
      %rem3A_482 = arith.remsi %add3A_476, %select_n3A_481 : i32
      %ne3A_483 = arith.constant 0 : i32
      %ne3A_484 = arith.cmpi ne, %rem3A_482, %ne3A_483 : i32
      %lt3A_485 = arith.constant 0 : i32
      %lt3A_486 = arith.cmpi slt, %rem3A_482, %lt3A_485 : i32
      %lt3A_487 = arith.constant 0 : i32
      %lt3A_488 = arith.cmpi slt, %select_n3A_481, %lt3A_487 : i32
      %ne3A_489 = arith.xori %lt3A_486, %lt3A_488 : i1
      %and3A_490 = arith.andi %ne3A_489, %ne3A_484 : i1
      %add3A_491 = arith.addi %rem3A_482, %select_n3A_481 : i32
      %select_n3A_492 = arith.select %and3A_490, %add3A_491, %rem3A_482 : i32
      %dma_start3A_493 = arith.constant 64 : i32
      %dma_start3A_494 = tpu.memref_slice %arg10[%select_n3A_492, %dma_start3A_493] : memref<4x128xi32, #tpu.memory_space<vmem>> -> memref<1x64xi32, #tpu.memory_space<vmem>>
      %dma_start3A_495 = tpu.memref_squeeze %dma_start3A_494 : memref<1x64xi32, #tpu.memory_space<vmem>> -> memref<64xi32, #tpu.memory_space<vmem>>
      %dma_start3A_496 = arith.constant 0 : i32
      %dma_start3A_497 = arith.constant 0 : i32
      %dma_start3A_498 = tpu.memref_slice %arg15[%dma_start3A_496, %dma_start3A_497] : memref<10240x128xf32, #tpu.memory_space<vmem_shared>> -> memref<10240x128xf32, #tpu.memory_space<vmem_shared>>
      tpu.enqueue_indirect_dma source(%arg12 : memref<64x128xf32, #tpu.memory_space<vmem>>) target(%dma_start3A_498 : memref<10240x128xf32, #tpu.memory_space<vmem_shared>>) offsets(%dma_start3A_495 : memref<64xi32, #tpu.memory_space<vmem>>) semaphore(%arg19 : memref<!tpu.dma_semaphore, #tpu.memory_space<semaphore_mem>>) {add = true}
      %add3A_499 = arith.constant 2 : i32
      %add3A_500 = arith.addi %add3A_211, %add3A_499 : i32
      %min3A_501 = arith.constant 79 : i32
      %min3A_502 = arith.minsi %add3A_500, %min3A_501 : i32
      %jit3A_503 = arith.constant 4 : i32
      %eq3A_504 = arith.constant 0 : i32
      %eq3A_505 = arith.cmpi eq, %jit3A_503, %eq3A_504 : i32
      %jit3A_506 = arith.constant 1 : i32
      %select_n3A_507 = arith.select %eq3A_505, %jit3A_506, %jit3A_503 : i32
      %rem3A_508 = arith.remsi %min3A_502, %select_n3A_507 : i32
      %ne3A_509 = arith.constant 0 : i32
      %ne3A_510 = arith.cmpi ne, %rem3A_508, %ne3A_509 : i32
      %lt3A_511 = arith.constant 0 : i32
      %lt3A_512 = arith.cmpi slt, %rem3A_508, %lt3A_511 : i32
      %lt3A_513 = arith.constant 0 : i32
      %lt3A_514 = arith.cmpi slt, %select_n3A_507, %lt3A_513 : i32
      %ne3A_515 = arith.xori %lt3A_512, %lt3A_514 : i1
      %and3A_516 = arith.andi %ne3A_515, %ne3A_510 : i1
      %add3A_517 = arith.addi %rem3A_508, %select_n3A_507 : i32
      %select_n3A_518 = arith.select %and3A_516, %add3A_517, %rem3A_508 : i32
      %dma_start3A_519 = arith.constant 64 : i32
      %dma_start3A_520 = tpu.memref_slice %arg9[%select_n3A_518, %dma_start3A_519] : memref<4x128xi32, #tpu.memory_space<vmem>> -> memref<1x64xi32, #tpu.memory_space<vmem>>
      %dma_start3A_521 = tpu.memref_squeeze %dma_start3A_520 : memref<1x64xi32, #tpu.memory_space<vmem>> -> memref<64xi32, #tpu.memory_space<vmem>>
      %dma_start3A_522 = arith.constant 0 : i32
      %dma_start3A_523 = arith.constant 0 : i32
      %dma_start3A_524 = tpu.memref_slice %arg2[%dma_start3A_522, %dma_start3A_523] : memref<10000x128xf32, #tpu.memory_space<hbm>> -> memref<10000x128xf32, #tpu.memory_space<hbm>>
      tpu.enqueue_indirect_dma source(%dma_start3A_524 : memref<10000x128xf32, #tpu.memory_space<hbm>>) target(%arg14 : memref<64x128xf32, #tpu.memory_space<vmem>>) offsets(%dma_start3A_521 : memref<64xi32, #tpu.memory_space<vmem>>) semaphore(%arg17 : memref<!tpu.dma_semaphore, #tpu.memory_space<semaphore_mem>>)
      %add3A_525 = arith.constant 3 : i32
      %add3A_526 = arith.addi %add3A_211, %add3A_525 : i32
      %min3A_527 = arith.constant 79 : i32
      %min3A_528 = arith.minsi %add3A_526, %min3A_527 : i32
      %add3A_529 = arith.constant 3 : i32
      %add3A_530 = arith.addi %add3A_211, %add3A_529 : i32
      %jit3A_531 = arith.constant 4 : i32
      %eq3A_532 = arith.constant 0 : i32
      %eq3A_533 = arith.cmpi eq, %jit3A_531, %eq3A_532 : i32
      %jit3A_534 = arith.constant 1 : i32
      %select_n3A_535 = arith.select %eq3A_533, %jit3A_534, %jit3A_531 : i32
      %rem3A_536 = arith.remsi %add3A_530, %select_n3A_535 : i32
      %ne3A_537 = arith.constant 0 : i32
      %ne3A_538 = arith.cmpi ne, %rem3A_536, %ne3A_537 : i32
      %lt3A_539 = arith.constant 0 : i32
      %lt3A_540 = arith.cmpi slt, %rem3A_536, %lt3A_539 : i32
      %lt3A_541 = arith.constant 0 : i32
      %lt3A_542 = arith.cmpi slt, %select_n3A_535, %lt3A_541 : i32
      %ne3A_543 = arith.xori %lt3A_540, %lt3A_542 : i1
      %and3A_544 = arith.andi %ne3A_543, %ne3A_538 : i1
      %add3A_545 = arith.addi %rem3A_536, %select_n3A_535 : i32
      %select_n3A_546 = arith.select %and3A_544, %add3A_545, %rem3A_536 : i32
      %lt3A_547 = arith.constant 31 : i32
      %lt3A_548 = arith.cmpi slt, %add3A, %lt3A_547 : i32
      %lt3A_549 = arith.constant 20 : i32
      %lt3A_550 = arith.cmpi slt, %min3A_528, %lt3A_549 : i32
      %or3A_551 = arith.ori %lt3A_548, %lt3A_550 : i1
      %convert_element_type3A_552 = arith.extui %or3A_551 : i1 to i32
      %cond3A_553 = arith.constant 0 : i32
      %cond3A_554 = arith.cmpi ne, %convert_element_type3A_552, %cond3A_553 : i32
      scf.if %cond3A_554 {
        %mul3A_560 = arith.constant 10240 : i32
        %mul3A_561 = arith.muli %add3A, %mul3A_560 : i32
        %mul3A_562 = arith.constant 2 : i32
        %mul3A_563 = arith.muli %min3A_528, %mul3A_562 : i32
        %mul3A_564 = arith.constant 64 : i32
        %mul3A_565 = arith.muli %mul3A_563, %mul3A_564 : i32
        %add3A_566 = arith.addi %mul3A_561, %mul3A_565 : i32
        %dma_start3A_567 = arith.constant 0 : i32
        %dma_start3A_568 = tpu.memref_slice %arg9[%select_n3A_546, %dma_start3A_567] : memref<4x128xi32, #tpu.memory_space<vmem>> -> memref<1x128xi32, #tpu.memory_space<vmem>>
        %dma_start3A_569 = tpu.memref_squeeze %dma_start3A_568 : memref<1x128xi32, #tpu.memory_space<vmem>> -> memref<128xi32, #tpu.memory_space<vmem>>
        %dma_start3A_570 = tpu.memref_slice %arg3[%add3A_566] : memref<320000xi32, #tpu.memory_space<hbm>> -> memref<128xi32, #tpu.memory_space<hbm>>
        %dma_start3A_571 = arith.constant 0 : i32
        %dma_start3A_572 = tpu.memref_slice %arg9[%select_n3A_546, %dma_start3A_571] : memref<4x128xi32, #tpu.memory_space<vmem>> -> memref<1x128xi32, #tpu.memory_space<vmem>>
        %dma_start3A_573 = tpu.memref_squeeze %dma_start3A_572 : memref<1x128xi32, #tpu.memory_space<vmem>> -> memref<128xi32, #tpu.memory_space<vmem>>
        %dma_start3A_574 = tpu.memref_slice %arg3[%add3A_566] : memref<320000xi32, #tpu.memory_space<hbm>> -> memref<128xi32, #tpu.memory_space<hbm>>
        tpu.enqueue_dma source(%dma_start3A_574 : memref<128xi32, #tpu.memory_space<hbm>>) target(%dma_start3A_573 : memref<128xi32, #tpu.memory_space<vmem>>) target_semaphore(%arg20 : memref<!tpu.dma_semaphore, #tpu.memory_space<semaphore_mem>>)
        %mul3A_575 = arith.constant 10240 : i32
        %mul3A_576 = arith.muli %add3A, %mul3A_575 : i32
        %mul3A_577 = arith.constant 2 : i32
        %mul3A_578 = arith.muli %min3A_528, %mul3A_577 : i32
        %mul3A_579 = arith.constant 64 : i32
        %mul3A_580 = arith.muli %mul3A_578, %mul3A_579 : i32
        %add3A_581 = arith.addi %mul3A_576, %mul3A_580 : i32
        %dma_start3A_582 = arith.constant 0 : i32
        %dma_start3A_583 = tpu.memref_slice %arg10[%select_n3A_546, %dma_start3A_582] : memref<4x128xi32, #tpu.memory_space<vmem>> -> memref<1x128xi32, #tpu.memory_space<vmem>>
        %dma_start3A_584 = tpu.memref_squeeze %dma_start3A_583 : memref<1x128xi32, #tpu.memory_space<vmem>> -> memref<128xi32, #tpu.memory_space<vmem>>
        %dma_start3A_585 = tpu.memref_slice %arg4[%add3A_581] : memref<320000xi32, #tpu.memory_space<hbm>> -> memref<128xi32, #tpu.memory_space<hbm>>
        %dma_start3A_586 = arith.constant 0 : i32
        %dma_start3A_587 = tpu.memref_slice %arg10[%select_n3A_546, %dma_start3A_586] : memref<4x128xi32, #tpu.memory_space<vmem>> -> memref<1x128xi32, #tpu.memory_space<vmem>>
        %dma_start3A_588 = tpu.memref_squeeze %dma_start3A_587 : memref<1x128xi32, #tpu.memory_space<vmem>> -> memref<128xi32, #tpu.memory_space<vmem>>
        %dma_start3A_589 = tpu.memref_slice %arg4[%add3A_581] : memref<320000xi32, #tpu.memory_space<hbm>> -> memref<128xi32, #tpu.memory_space<hbm>>
        tpu.enqueue_dma source(%dma_start3A_589 : memref<128xi32, #tpu.memory_space<hbm>>) target(%dma_start3A_588 : memref<128xi32, #tpu.memory_space<vmem>>) target_semaphore(%arg21 : memref<!tpu.dma_semaphore, #tpu.memory_space<semaphore_mem>>)
      } else {
      }
      %not3A_555 = arith.constant true
      %not3A_556 = arith.xori %or3A_551, %not3A_555 : i1
      %convert_element_type3A_557 = arith.extui %not3A_556 : i1 to i32
      %cond3A_558 = arith.constant 0 : i32
      %cond3A_559 = arith.cmpi ne, %convert_element_type3A_557, %cond3A_558 : i32
      scf.if %cond3A_559 {
        %sub3A = arith.constant 20 : i32
        %sub3A_560 = arith.subi %min3A_528, %sub3A : i32
        %mul3A_561 = arith.constant 2 : i32
        %mul3A_562 = arith.muli %sub3A_560, %mul3A_561 : i32
        %mul3A_563 = arith.constant 64 : i32
        %mul3A_564 = arith.muli %mul3A_562, %mul3A_563 : i32
        %dma_start3A_565 = arith.constant 0 : i32
        %dma_start3A_566 = tpu.memref_slice %arg9[%select_n3A_546, %dma_start3A_565] : memref<4x128xi32, #tpu.memory_space<vmem>> -> memref<1x128xi32, #tpu.memory_space<vmem>>
        %dma_start3A_567 = tpu.memref_squeeze %dma_start3A_566 : memref<1x128xi32, #tpu.memory_space<vmem>> -> memref<128xi32, #tpu.memory_space<vmem>>
        %dma_start3A_568 = tpu.memref_slice %arg5[%mul3A_564] : memref<7680xi32, #tpu.memory_space<hbm>> -> memref<128xi32, #tpu.memory_space<hbm>>
        %dma_start3A_569 = arith.constant 0 : i32
        %dma_start3A_570 = tpu.memref_slice %arg9[%select_n3A_546, %dma_start3A_569] : memref<4x128xi32, #tpu.memory_space<vmem>> -> memref<1x128xi32, #tpu.memory_space<vmem>>
        %dma_start3A_571 = tpu.memref_squeeze %dma_start3A_570 : memref<1x128xi32, #tpu.memory_space<vmem>> -> memref<128xi32, #tpu.memory_space<vmem>>
        %dma_start3A_572 = tpu.memref_slice %arg5[%mul3A_564] : memref<7680xi32, #tpu.memory_space<hbm>> -> memref<128xi32, #tpu.memory_space<hbm>>
        tpu.enqueue_dma source(%dma_start3A_572 : memref<128xi32, #tpu.memory_space<hbm>>) target(%dma_start3A_571 : memref<128xi32, #tpu.memory_space<vmem>>) target_semaphore(%arg20 : memref<!tpu.dma_semaphore, #tpu.memory_space<semaphore_mem>>)
        %sub3A_573 = arith.constant 20 : i32
        %sub3A_574 = arith.subi %min3A_528, %sub3A_573 : i32
        %mul3A_575 = arith.constant 2 : i32
        %mul3A_576 = arith.muli %sub3A_574, %mul3A_575 : i32
        %mul3A_577 = arith.constant 64 : i32
        %mul3A_578 = arith.muli %mul3A_576, %mul3A_577 : i32
        %dma_start3A_579 = arith.constant 0 : i32
        %dma_start3A_580 = tpu.memref_slice %arg10[%select_n3A_546, %dma_start3A_579] : memref<4x128xi32, #tpu.memory_space<vmem>> -> memref<1x128xi32, #tpu.memory_space<vmem>>
        %dma_start3A_581 = tpu.memref_squeeze %dma_start3A_580 : memref<1x128xi32, #tpu.memory_space<vmem>> -> memref<128xi32, #tpu.memory_space<vmem>>
        %dma_start3A_582 = tpu.memref_slice %arg6[%mul3A_578] : memref<7680xi32, #tpu.memory_space<hbm>> -> memref<128xi32, #tpu.memory_space<hbm>>
        %dma_start3A_583 = arith.constant 0 : i32
        %dma_start3A_584 = tpu.memref_slice %arg10[%select_n3A_546, %dma_start3A_583] : memref<4x128xi32, #tpu.memory_space<vmem>> -> memref<1x128xi32, #tpu.memory_space<vmem>>
        %dma_start3A_585 = tpu.memref_squeeze %dma_start3A_584 : memref<1x128xi32, #tpu.memory_space<vmem>> -> memref<128xi32, #tpu.memory_space<vmem>>
        %dma_start3A_586 = tpu.memref_slice %arg6[%mul3A_578] : memref<7680xi32, #tpu.memory_space<hbm>> -> memref<128xi32, #tpu.memory_space<hbm>>
        tpu.enqueue_dma source(%dma_start3A_586 : memref<128xi32, #tpu.memory_space<hbm>>) target(%dma_start3A_585 : memref<128xi32, #tpu.memory_space<vmem>>) target_semaphore(%arg21 : memref<!tpu.dma_semaphore, #tpu.memory_space<semaphore_mem>>)
      } else {
      }
    }
    %scan3A_125 = arith.constant 39 : i32
    %dma_wait3A_126 = arith.constant 0 : i32
    %dma_wait3A_127 = arith.constant 0 : i32
    %dma_wait3A_128 = tpu.memref_slice %arg7[%dma_wait3A_126, %dma_wait3A_127] : memref<640x128xf32, #tpu.memory_space<hbm>> -> memref<64x128xf32, #tpu.memory_space<hbm>>
    %dma_wait3A_129 = arith.constant 0 : i32
    %dma_wait3A_130 = arith.constant 0 : i32
    %dma_wait3A_131 = tpu.memref_slice %arg7[%dma_wait3A_129, %dma_wait3A_130] : memref<640x128xf32, #tpu.memory_space<hbm>> -> memref<64x128xf32, #tpu.memory_space<hbm>>
    tpu.wait_dma2 semaphore(%arg16 : memref<!tpu.dma_semaphore, #tpu.memory_space<semaphore_mem>>) src(%dma_wait3A_131 : memref<64x128xf32, #tpu.memory_space<hbm>>) dst(%arg13 : memref<64x128xf32, #tpu.memory_space<vmem>>)
    %dma_wait3A_132 = arith.constant 0 : i32
    %dma_wait3A_133 = arith.constant 0 : i32
    %dma_wait3A_134 = tpu.memref_slice %arg7[%dma_wait3A_132, %dma_wait3A_133] : memref<640x128xf32, #tpu.memory_space<hbm>> -> memref<64x128xf32, #tpu.memory_space<hbm>>
    %dma_wait3A_135 = arith.constant 0 : i32
    %dma_wait3A_136 = arith.constant 0 : i32
    %dma_wait3A_137 = tpu.memref_slice %arg7[%dma_wait3A_135, %dma_wait3A_136] : memref<640x128xf32, #tpu.memory_space<hbm>> -> memref<64x128xf32, #tpu.memory_space<hbm>>
    tpu.wait_dma2 semaphore(%arg18 : memref<!tpu.dma_semaphore, #tpu.memory_space<semaphore_mem>>) src(%dma_wait3A_137 : memref<64x128xf32, #tpu.memory_space<hbm>>) dst(%arg11 : memref<64x128xf32, #tpu.memory_space<vmem>>)
    %dma_start3A_138 = arith.constant 3 : i32
    %dma_start3A_139 = arith.constant 0 : i32
    %dma_start3A_140 = tpu.memref_slice %arg10[%dma_start3A_138, %dma_start3A_139] : memref<4x128xi32, #tpu.memory_space<vmem>> -> memref<1x64xi32, #tpu.memory_space<vmem>>
    %dma_start3A_141 = tpu.memref_squeeze %dma_start3A_140 : memref<1x64xi32, #tpu.memory_space<vmem>> -> memref<64xi32, #tpu.memory_space<vmem>>
    %dma_start3A_142 = arith.constant 0 : i32
    %dma_start3A_143 = arith.constant 0 : i32
    %dma_start3A_144 = tpu.memref_slice %arg15[%dma_start3A_142, %dma_start3A_143] : memref<10240x128xf32, #tpu.memory_space<vmem_shared>> -> memref<10240x128xf32, #tpu.memory_space<vmem_shared>>
    tpu.enqueue_indirect_dma source(%arg13 : memref<64x128xf32, #tpu.memory_space<vmem>>) target(%dma_start3A_144 : memref<10240x128xf32, #tpu.memory_space<vmem_shared>>) offsets(%dma_start3A_141 : memref<64xi32, #tpu.memory_space<vmem>>) semaphore(%arg18 : memref<!tpu.dma_semaphore, #tpu.memory_space<semaphore_mem>>) {add = true}
    %dma_wait3A_145 = arith.constant 0 : i32
    %dma_wait3A_146 = arith.constant 0 : i32
    %dma_wait3A_147 = tpu.memref_slice %arg7[%dma_wait3A_145, %dma_wait3A_146] : memref<640x128xf32, #tpu.memory_space<hbm>> -> memref<64x128xf32, #tpu.memory_space<hbm>>
    %dma_wait3A_148 = arith.constant 0 : i32
    %dma_wait3A_149 = arith.constant 0 : i32
    %dma_wait3A_150 = tpu.memref_slice %arg7[%dma_wait3A_148, %dma_wait3A_149] : memref<640x128xf32, #tpu.memory_space<hbm>> -> memref<64x128xf32, #tpu.memory_space<hbm>>
    tpu.wait_dma2 semaphore(%arg17 : memref<!tpu.dma_semaphore, #tpu.memory_space<semaphore_mem>>) src(%dma_wait3A_150 : memref<64x128xf32, #tpu.memory_space<hbm>>) dst(%arg14 : memref<64x128xf32, #tpu.memory_space<vmem>>)
    %dma_wait3A_151 = arith.constant 0 : i32
    %dma_wait3A_152 = arith.constant 0 : i32
    %dma_wait3A_153 = tpu.memref_slice %arg7[%dma_wait3A_151, %dma_wait3A_152] : memref<640x128xf32, #tpu.memory_space<hbm>> -> memref<64x128xf32, #tpu.memory_space<hbm>>
    %dma_wait3A_154 = arith.constant 0 : i32
    %dma_wait3A_155 = arith.constant 0 : i32
    %dma_wait3A_156 = tpu.memref_slice %arg7[%dma_wait3A_154, %dma_wait3A_155] : memref<640x128xf32, #tpu.memory_space<hbm>> -> memref<64x128xf32, #tpu.memory_space<hbm>>
    tpu.wait_dma2 semaphore(%arg19 : memref<!tpu.dma_semaphore, #tpu.memory_space<semaphore_mem>>) src(%dma_wait3A_156 : memref<64x128xf32, #tpu.memory_space<hbm>>) dst(%arg12 : memref<64x128xf32, #tpu.memory_space<vmem>>)
    %dma_start3A_157 = arith.constant 3 : i32
    %dma_start3A_158 = arith.constant 64 : i32
    %dma_start3A_159 = tpu.memref_slice %arg10[%dma_start3A_157, %dma_start3A_158] : memref<4x128xi32, #tpu.memory_space<vmem>> -> memref<1x64xi32, #tpu.memory_space<vmem>>
    %dma_start3A_160 = tpu.memref_squeeze %dma_start3A_159 : memref<1x64xi32, #tpu.memory_space<vmem>> -> memref<64xi32, #tpu.memory_space<vmem>>
    %dma_start3A_161 = arith.constant 0 : i32
    %dma_start3A_162 = arith.constant 0 : i32
    %dma_start3A_163 = tpu.memref_slice %arg15[%dma_start3A_161, %dma_start3A_162] : memref<10240x128xf32, #tpu.memory_space<vmem_shared>> -> memref<10240x128xf32, #tpu.memory_space<vmem_shared>>
    tpu.enqueue_indirect_dma source(%arg14 : memref<64x128xf32, #tpu.memory_space<vmem>>) target(%dma_start3A_163 : memref<10240x128xf32, #tpu.memory_space<vmem_shared>>) offsets(%dma_start3A_160 : memref<64xi32, #tpu.memory_space<vmem>>) semaphore(%arg19 : memref<!tpu.dma_semaphore, #tpu.memory_space<semaphore_mem>>) {add = true}
    %dma_wait3A_164 = arith.constant 0 : i32
    %dma_wait3A_165 = arith.constant 0 : i32
    %dma_wait3A_166 = tpu.memref_slice %arg9[%dma_wait3A_164, %dma_wait3A_165] : memref<4x128xi32, #tpu.memory_space<vmem>> -> memref<1x128xi32, #tpu.memory_space<vmem>>
    %dma_wait3A_167 = tpu.memref_squeeze %dma_wait3A_166 : memref<1x128xi32, #tpu.memory_space<vmem>> -> memref<128xi32, #tpu.memory_space<vmem>>
    %dma_wait3A_168 = arith.constant 0 : i32
    %dma_wait3A_169 = tpu.memref_slice %arg3[%dma_wait3A_168] : memref<320000xi32, #tpu.memory_space<hbm>> -> memref<128xi32, #tpu.memory_space<hbm>>
    %dma_wait3A_170 = arith.constant 0 : i32
    %dma_wait3A_171 = tpu.memref_slice %arg9[%dma_wait3A_164, %dma_wait3A_170] : memref<4x128xi32, #tpu.memory_space<vmem>> -> memref<1x128xi32, #tpu.memory_space<vmem>>
    %dma_wait3A_172 = tpu.memref_squeeze %dma_wait3A_171 : memref<1x128xi32, #tpu.memory_space<vmem>> -> memref<128xi32, #tpu.memory_space<vmem>>
    %dma_wait3A_173 = arith.constant 0 : i32
    %dma_wait3A_174 = tpu.memref_slice %arg3[%dma_wait3A_173] : memref<320000xi32, #tpu.memory_space<hbm>> -> memref<128xi32, #tpu.memory_space<hbm>>
    tpu.wait_dma2 semaphore(%arg20 : memref<!tpu.dma_semaphore, #tpu.memory_space<semaphore_mem>>) src(%dma_wait3A_174 : memref<128xi32, #tpu.memory_space<hbm>>) dst(%dma_wait3A_172 : memref<128xi32, #tpu.memory_space<vmem>>)
    %dma_wait3A_175 = arith.constant 0 : i32
    %dma_wait3A_176 = arith.constant 0 : i32
    %dma_wait3A_177 = tpu.memref_slice %arg10[%dma_wait3A_175, %dma_wait3A_176] : memref<4x128xi32, #tpu.memory_space<vmem>> -> memref<1x128xi32, #tpu.memory_space<vmem>>
    %dma_wait3A_178 = tpu.memref_squeeze %dma_wait3A_177 : memref<1x128xi32, #tpu.memory_space<vmem>> -> memref<128xi32, #tpu.memory_space<vmem>>
    %dma_wait3A_179 = arith.constant 0 : i32
    %dma_wait3A_180 = tpu.memref_slice %arg4[%dma_wait3A_179] : memref<320000xi32, #tpu.memory_space<hbm>> -> memref<128xi32, #tpu.memory_space<hbm>>
    %dma_wait3A_181 = arith.constant 0 : i32
    %dma_wait3A_182 = tpu.memref_slice %arg10[%dma_wait3A_175, %dma_wait3A_181] : memref<4x128xi32, #tpu.memory_space<vmem>> -> memref<1x128xi32, #tpu.memory_space<vmem>>
    %dma_wait3A_183 = tpu.memref_squeeze %dma_wait3A_182 : memref<1x128xi32, #tpu.memory_space<vmem>> -> memref<128xi32, #tpu.memory_space<vmem>>
    %dma_wait3A_184 = arith.constant 0 : i32
    %dma_wait3A_185 = tpu.memref_slice %arg4[%dma_wait3A_184] : memref<320000xi32, #tpu.memory_space<hbm>> -> memref<128xi32, #tpu.memory_space<hbm>>
    tpu.wait_dma2 semaphore(%arg21 : memref<!tpu.dma_semaphore, #tpu.memory_space<semaphore_mem>>) src(%dma_wait3A_185 : memref<128xi32, #tpu.memory_space<hbm>>) dst(%dma_wait3A_183 : memref<128xi32, #tpu.memory_space<vmem>>)
    %dma_wait3A_186 = arith.constant 3 : i32
    %dma_wait3A_187 = arith.constant 0 : i32
    %dma_wait3A_188 = tpu.memref_slice %arg10[%dma_wait3A_186, %dma_wait3A_187] : memref<4x128xi32, #tpu.memory_space<vmem>> -> memref<1x64xi32, #tpu.memory_space<vmem>>
    %dma_wait3A_189 = tpu.memref_squeeze %dma_wait3A_188 : memref<1x64xi32, #tpu.memory_space<vmem>> -> memref<64xi32, #tpu.memory_space<vmem>>
    %dma_wait3A_190 = arith.constant 0 : i32
    %dma_wait3A_191 = arith.constant 0 : i32
    %dma_wait3A_192 = tpu.memref_slice %arg15[%dma_wait3A_190, %dma_wait3A_191] : memref<10240x128xf32, #tpu.memory_space<vmem_shared>> -> memref<10240x128xf32, #tpu.memory_space<vmem_shared>>
    tpu.wait_indirect_dma semaphore(%arg18 : memref<!tpu.dma_semaphore, #tpu.memory_space<semaphore_mem>>) src(%arg13 : memref<64x128xf32, #tpu.memory_space<vmem>>) dst(%dma_wait3A_192 : memref<10240x128xf32, #tpu.memory_space<vmem_shared>>)
    %dma_wait3A_193 = arith.constant 3 : i32
    %dma_wait3A_194 = arith.constant 64 : i32
    %dma_wait3A_195 = tpu.memref_slice %arg10[%dma_wait3A_193, %dma_wait3A_194] : memref<4x128xi32, #tpu.memory_space<vmem>> -> memref<1x64xi32, #tpu.memory_space<vmem>>
    %dma_wait3A_196 = tpu.memref_squeeze %dma_wait3A_195 : memref<1x64xi32, #tpu.memory_space<vmem>> -> memref<64xi32, #tpu.memory_space<vmem>>
    %dma_wait3A_197 = arith.constant 0 : i32
    %dma_wait3A_198 = arith.constant 0 : i32
    %dma_wait3A_199 = tpu.memref_slice %arg15[%dma_wait3A_197, %dma_wait3A_198] : memref<10240x128xf32, #tpu.memory_space<vmem_shared>> -> memref<10240x128xf32, #tpu.memory_space<vmem_shared>>
    tpu.wait_indirect_dma semaphore(%arg19 : memref<!tpu.dma_semaphore, #tpu.memory_space<semaphore_mem>>) src(%arg14 : memref<64x128xf32, #tpu.memory_space<vmem>>) dst(%dma_wait3A_199 : memref<10240x128xf32, #tpu.memory_space<vmem_shared>>)
    %barrier3A_200 = arith.constant 0 : index
    tpu.barrier barrier_id(%barrier3A_200)
    %mul3A_201 = arith.constant 640 : i32
    %mul3A_202 = arith.muli %arg1, %mul3A_201 : i32
    %min3A = arith.constant 9360 : i32
    %min3A_203 = arith.minsi %mul3A_202, %min3A : i32
    %mul3A_204 = arith.constant 10000 : i32
    %mul3A_205 = arith.muli %arg0, %mul3A_204 : i32
    %add3A_206 = arith.addi %mul3A_205, %min3A_203 : i32
    "tpu.region"() ({
      %run_scoped3A_207 = tpu.sem_alloc : memref<!tpu.dma_semaphore, #tpu.memory_space<semaphore_mem>>
      %dma_start3A_208 = arith.constant 0 : i32
      %dma_start3A_209 = tpu.memref_slice %arg8[%add3A_206, %dma_start3A_208] : memref<20000x128xf32, #tpu.memory_space<hbm>> -> memref<640x128xf32, #tpu.memory_space<hbm>>
      %dma_start3A_210 = arith.constant 0 : i32
      %dma_start3A_211 = tpu.memref_slice %arg15[%min3A_203, %dma_start3A_210] : memref<10240x128xf32, #tpu.memory_space<vmem_shared>> -> memref<640x128xf32, #tpu.memory_space<vmem_shared>>
      tpu.enqueue_dma source(%dma_start3A_211 : memref<640x128xf32, #tpu.memory_space<vmem_shared>>) target(%dma_start3A_209 : memref<640x128xf32, #tpu.memory_space<hbm>>) target_semaphore(%run_scoped3A_207 : memref<!tpu.dma_semaphore, #tpu.memory_space<semaphore_mem>>)
      %dma_wait3A_212 = arith.constant 0 : i32
      %dma_wait3A_213 = tpu.memref_slice %arg8[%add3A_206, %dma_wait3A_212] : memref<20000x128xf32, #tpu.memory_space<hbm>> -> memref<640x128xf32, #tpu.memory_space<hbm>>
      %dma_wait3A_214 = arith.constant 0 : i32
      %dma_wait3A_215 = tpu.memref_slice %arg15[%min3A_203, %dma_wait3A_214] : memref<10240x128xf32, #tpu.memory_space<vmem_shared>> -> memref<640x128xf32, #tpu.memory_space<vmem_shared>>
      tpu.wait_dma2 semaphore(%run_scoped3A_207 : memref<!tpu.dma_semaphore, #tpu.memory_space<semaphore_mem>>) src(%dma_wait3A_215 : memref<640x128xf32, #tpu.memory_space<vmem_shared>>) dst(%dma_wait3A_213 : memref<640x128xf32, #tpu.memory_space<hbm>>)
      tpu.yield
    }) : () -> ()
    return
  }
}

module attributes {stable_mosaic.version = 14 : i64} {
  func.func @_tc_mlp_body(%arg0: memref<20000x128xf32, #tpu.memory_space<vmem>>, %arg1: memref<10000x128xf32, #tpu.memory_space<vmem>>, %arg2: memref<1x1xf32, #tpu.memory_space<vmem>>, %arg3: memref<128x128xf32, #tpu.memory_space<vmem>>, %arg4: memref<1x128xf32, #tpu.memory_space<vmem>>, %arg5: memref<1x128xf32, #tpu.memory_space<vmem>>, %arg6: memref<1x128xf32, #tpu.memory_space<vmem>>, %arg7: memref<128x128xf32, #tpu.memory_space<vmem>>, %arg8: memref<1x128xf32, #tpu.memory_space<vmem>>, %arg9: memref<1x128xf32, #tpu.memory_space<vmem>>, %arg10: memref<1x128xf32, #tpu.memory_space<vmem>>, %arg11: memref<10000x128xf32, #tpu.memory_space<vmem>>) attributes {dimension_semantics = [], scalar_prefetch = 0 : i64, scratch_operands = 0 : i64, tpu.core_type = #tpu.core_type<tc>} {
    %get3A = arith.constant 0 : index
    %get3A_0 = arith.constant 0 : index
    %get3A_1 = vector.load %arg0[%get3A, %get3A_0] : memref<20000x128xf32, #tpu.memory_space<vmem>>, vector<10000x128xf32>
    %get3A_2 = arith.constant 10000 : index
    %get3A_3 = arith.constant 0 : index
    %get3A_4 = vector.load %arg0[%get3A_2, %get3A_3] : memref<20000x128xf32, #tpu.memory_space<vmem>>, vector<10000x128xf32>
    %add3A = arith.addf %get3A_1, %get3A_4 : vector<10000x128xf32>
    %get3A_5 = arith.constant 0 : index
    %get3A_6 = arith.constant 0 : index
    %get3A_7 = vector.load %arg2[%get3A_5, %get3A_6] : memref<1x1xf32, #tpu.memory_space<vmem>>, vector<1x1xf32>
    %get3A_8 = vector.extract %get3A_7[0, 0] : f32 from vector<1x1xf32>
    %add3A_9 = arith.constant 1.000000e+00 : f32
    %add3A_10 = arith.addf %add3A_9, %get3A_8 : f32
    %get3A_11 = arith.constant 0 : index
    %get3A_12 = arith.constant 0 : index
    %get3A_13 = vector.load %arg1[%get3A_11, %get3A_12] : memref<10000x128xf32, #tpu.memory_space<vmem>>, vector<10000x128xf32>
    %mul3A = vector.broadcast %add3A_10 : f32 to vector<10000x128xf32>
    %mul3A_14 = arith.mulf %mul3A, %get3A_13 : vector<10000x128xf32>
    %add3A_15 = arith.addf %add3A, %mul3A_14 : vector<10000x128xf32>
    %get3A_16 = arith.constant 0 : index
    %get3A_17 = arith.constant 0 : index
    %get3A_18 = vector.load %arg3[%get3A_16, %get3A_17] : memref<128x128xf32, #tpu.memory_space<vmem>>, vector<128x128xf32>
    %get3A_19 = arith.constant 0 : index
    %get3A_20 = arith.constant 0 : index
    %get3A_21 = vector.load %arg4[%get3A_19, %get3A_20] : memref<1x128xf32, #tpu.memory_space<vmem>>, vector<1x128xf32>
    %get3A_22 = arith.constant 0 : index
    %get3A_23 = arith.constant 0 : index
    %get3A_24 = vector.load %arg5[%get3A_22, %get3A_23] : memref<1x128xf32, #tpu.memory_space<vmem>>, vector<1x128xf32>
    %get3A_25 = arith.constant 0 : index
    %get3A_26 = arith.constant 0 : index
    %get3A_27 = vector.load %arg6[%get3A_25, %get3A_26] : memref<1x128xf32, #tpu.memory_space<vmem>>, vector<1x128xf32>
    %dot_general3A = arith.constant dense<0.000000e+00> : vector<10000x128xf32>
    %dot_general3A_28 = tpu.matmul %add3A_15, %get3A_18, %dot_general3A {dimension_numbers = #tpu.dot_dimension_numbers<[1], [1], [0], [0], [0, 0, 1, 0], [], []>, transpose_lhs_hint = false} : vector<10000x128xf32>, vector<128x128xf32>, vector<10000x128xf32> -> vector<10000x128xf32>
    %add3A_29 = vector.broadcast %get3A_21 : vector<1x128xf32> to vector<10000x128xf32>
    %add3A_30 = arith.addf %dot_general3A_28, %add3A_29 : vector<10000x128xf32>
    %reduce_sum3A = arith.constant dense<0.000000e+00> : vector<128xf32>
    %reduce_sum3A_31 = vector.multi_reduction <add>, %add3A_30, %reduce_sum3A [0] : vector<10000x128xf32> to vector<128xf32>
    %broadcast_in_dim3A = vector.shape_cast %reduce_sum3A_31 : vector<128xf32> to vector<1x128xf32>
    %div3A = arith.constant 1.000000e+04 : f32
    %div3A_32 = vector.broadcast %div3A : f32 to vector<1x128xf32>
    %div3A_33 = arith.divf %broadcast_in_dim3A, %div3A_32 : vector<1x128xf32>
    %sub3A = vector.broadcast %div3A_33 : vector<1x128xf32> to vector<10000x128xf32>
    %sub3A_34 = arith.subf %add3A_30, %sub3A : vector<10000x128xf32>
    %integer_pow3A = arith.mulf %sub3A_34, %sub3A_34 : vector<10000x128xf32>
    %reduce_sum3A_35 = arith.constant dense<0.000000e+00> : vector<128xf32>
    %reduce_sum3A_36 = vector.multi_reduction <add>, %integer_pow3A, %reduce_sum3A_35 [0] : vector<10000x128xf32> to vector<128xf32>
    %broadcast_in_dim3A_37 = vector.shape_cast %reduce_sum3A_36 : vector<128xf32> to vector<1x128xf32>
    %div3A_38 = arith.constant 1.000000e+04 : f32
    %div3A_39 = vector.broadcast %div3A_38 : f32 to vector<1x128xf32>
    %div3A_40 = arith.divf %broadcast_in_dim3A_37, %div3A_39 : vector<1x128xf32>
    %sub3A_41 = vector.broadcast %div3A_33 : vector<1x128xf32> to vector<10000x128xf32>
    %sub3A_42 = arith.subf %add3A_30, %sub3A_41 : vector<10000x128xf32>
    %add3A_43 = arith.constant 9.99999974E-6 : f32
    %add3A_44 = vector.broadcast %add3A_43 : f32 to vector<1x128xf32>
    %add3A_45 = arith.addf %div3A_40, %add3A_44 : vector<1x128xf32>
    %sqrt3A = math.sqrt %add3A_45 : vector<1x128xf32>
    %div3A_46 = vector.broadcast %sqrt3A : vector<1x128xf32> to vector<10000x128xf32>
    %div3A_47 = arith.divf %sub3A_42, %div3A_46 : vector<10000x128xf32>
    %mul3A_48 = vector.broadcast %get3A_24 : vector<1x128xf32> to vector<10000x128xf32>
    %mul3A_49 = arith.mulf %div3A_47, %mul3A_48 : vector<10000x128xf32>
    %add3A_50 = vector.broadcast %get3A_27 : vector<1x128xf32> to vector<10000x128xf32>
    %add3A_51 = arith.addf %mul3A_49, %add3A_50 : vector<10000x128xf32>
    %logistic3A = arith.negf %add3A_51 : vector<10000x128xf32>
    %logistic3A_52 = math.exp %logistic3A : vector<10000x128xf32>
    %logistic3A_53 = arith.constant 1.000000e+00 : f32
    %logistic3A_54 = vector.broadcast %logistic3A_53 : f32 to vector<10000x128xf32>
    %logistic3A_55 = arith.addf %logistic3A_54, %logistic3A_52 : vector<10000x128xf32>
    %logistic3A_56 = arith.divf %logistic3A_54, %logistic3A_55 : vector<10000x128xf32>
    %mul3A_57 = arith.mulf %add3A_51, %logistic3A_56 : vector<10000x128xf32>
    %get3A_58 = arith.constant 0 : index
    %get3A_59 = arith.constant 0 : index
    %get3A_60 = vector.load %arg7[%get3A_58, %get3A_59] : memref<128x128xf32, #tpu.memory_space<vmem>>, vector<128x128xf32>
    %get3A_61 = arith.constant 0 : index
    %get3A_62 = arith.constant 0 : index
    %get3A_63 = vector.load %arg8[%get3A_61, %get3A_62] : memref<1x128xf32, #tpu.memory_space<vmem>>, vector<1x128xf32>
    %get3A_64 = arith.constant 0 : index
    %get3A_65 = arith.constant 0 : index
    %get3A_66 = vector.load %arg9[%get3A_64, %get3A_65] : memref<1x128xf32, #tpu.memory_space<vmem>>, vector<1x128xf32>
    %get3A_67 = arith.constant 0 : index
    %get3A_68 = arith.constant 0 : index
    %get3A_69 = vector.load %arg10[%get3A_67, %get3A_68] : memref<1x128xf32, #tpu.memory_space<vmem>>, vector<1x128xf32>
    %dot_general3A_70 = arith.constant dense<0.000000e+00> : vector<10000x128xf32>
    %dot_general3A_71 = tpu.matmul %mul3A_57, %get3A_60, %dot_general3A_70 {dimension_numbers = #tpu.dot_dimension_numbers<[1], [1], [0], [0], [0, 0, 1, 0], [], []>, transpose_lhs_hint = false} : vector<10000x128xf32>, vector<128x128xf32>, vector<10000x128xf32> -> vector<10000x128xf32>
    %add3A_72 = vector.broadcast %get3A_63 : vector<1x128xf32> to vector<10000x128xf32>
    %add3A_73 = arith.addf %dot_general3A_71, %add3A_72 : vector<10000x128xf32>
    %reduce_sum3A_74 = arith.constant dense<0.000000e+00> : vector<128xf32>
    %reduce_sum3A_75 = vector.multi_reduction <add>, %add3A_73, %reduce_sum3A_74 [0] : vector<10000x128xf32> to vector<128xf32>
    %broadcast_in_dim3A_76 = vector.shape_cast %reduce_sum3A_75 : vector<128xf32> to vector<1x128xf32>
    %div3A_77 = arith.constant 1.000000e+04 : f32
    %div3A_78 = vector.broadcast %div3A_77 : f32 to vector<1x128xf32>
    %div3A_79 = arith.divf %broadcast_in_dim3A_76, %div3A_78 : vector<1x128xf32>
    %sub3A_80 = vector.broadcast %div3A_79 : vector<1x128xf32> to vector<10000x128xf32>
    %sub3A_81 = arith.subf %add3A_73, %sub3A_80 : vector<10000x128xf32>
    %integer_pow3A_82 = arith.mulf %sub3A_81, %sub3A_81 : vector<10000x128xf32>
    %reduce_sum3A_83 = arith.constant dense<0.000000e+00> : vector<128xf32>
    %reduce_sum3A_84 = vector.multi_reduction <add>, %integer_pow3A_82, %reduce_sum3A_83 [0] : vector<10000x128xf32> to vector<128xf32>
    %broadcast_in_dim3A_85 = vector.shape_cast %reduce_sum3A_84 : vector<128xf32> to vector<1x128xf32>
    %div3A_86 = arith.constant 1.000000e+04 : f32
    %div3A_87 = vector.broadcast %div3A_86 : f32 to vector<1x128xf32>
    %div3A_88 = arith.divf %broadcast_in_dim3A_85, %div3A_87 : vector<1x128xf32>
    %sub3A_89 = vector.broadcast %div3A_79 : vector<1x128xf32> to vector<10000x128xf32>
    %sub3A_90 = arith.subf %add3A_73, %sub3A_89 : vector<10000x128xf32>
    %add3A_91 = arith.constant 9.99999974E-6 : f32
    %add3A_92 = vector.broadcast %add3A_91 : f32 to vector<1x128xf32>
    %add3A_93 = arith.addf %div3A_88, %add3A_92 : vector<1x128xf32>
    %sqrt3A_94 = math.sqrt %add3A_93 : vector<1x128xf32>
    %div3A_95 = vector.broadcast %sqrt3A_94 : vector<1x128xf32> to vector<10000x128xf32>
    %div3A_96 = arith.divf %sub3A_90, %div3A_95 : vector<10000x128xf32>
    %mul3A_97 = vector.broadcast %get3A_66 : vector<1x128xf32> to vector<10000x128xf32>
    %mul3A_98 = arith.mulf %div3A_96, %mul3A_97 : vector<10000x128xf32>
    %add3A_99 = vector.broadcast %get3A_69 : vector<1x128xf32> to vector<10000x128xf32>
    %add3A_100 = arith.addf %mul3A_98, %add3A_99 : vector<10000x128xf32>
    %logistic3A_101 = arith.negf %add3A_100 : vector<10000x128xf32>
    %logistic3A_102 = math.exp %logistic3A_101 : vector<10000x128xf32>
    %logistic3A_103 = arith.constant 1.000000e+00 : f32
    %logistic3A_104 = vector.broadcast %logistic3A_103 : f32 to vector<10000x128xf32>
    %logistic3A_105 = arith.addf %logistic3A_104, %logistic3A_102 : vector<10000x128xf32>
    %logistic3A_106 = arith.divf %logistic3A_104, %logistic3A_105 : vector<10000x128xf32>
    %mul3A_107 = arith.mulf %add3A_100, %logistic3A_106 : vector<10000x128xf32>
    %swap3A = arith.constant 0 : index
    %swap3A_108 = arith.constant 0 : index
    %swap3A_109 = vector.load %arg11[%swap3A, %swap3A_108] : memref<10000x128xf32, #tpu.memory_space<vmem>>, vector<10000x128xf32>
    tpu.vector_store %arg11[%swap3A, %swap3A_108], %mul3A_107 {strides = array<i32>} : memref<10000x128xf32, #tpu.memory_space<vmem>>, vector<10000x128xf32>,
    return
  }
}

</mosaic_0001>

<sc_bundles>
// kernel: kernel.4.cloned.1.call-start
scs
__scs_entry_jumppad:
0x0: {  	(pc) =	sbr.rel $0x88, $3  }
0x1: {  	(tag) =	ssettag $0x0;
	lr =	simm.s32 $0x1  }
0x2: {  	[smem:$0x3F96] =	sst lr;
	_ =	strace $0xD0000000  }
0x3: {  	_ = 	snop  }
0x4: {  	_ = 	snop  }
0x5: {  	_ = 	snop  }
0x6: {  	_ = 	snop  }
0x7: {  	_ = 	snop  }
__scs_overlays_trampoline_lowered:
0x8: {  	[smem:$0x3FA5] =	sst s0  }
0x9: {  	[smem:$0x3FA6] =	sst s1  }
0xa: {  	[smem:$0x3FA7] =	sst s2  }
0xb: {  	[smem:$0x3FA8] =	sst s3  }
0xc: {  	[smem:$0x3FA9] =	sst s4  }
0xd: {  	[smem:$0x3FAA] =	sst s5  }
0xe: {  	[smem:$0x3FAB] =	sst s6  }
0xf: {  	[smem:$0x3FAC] =	sst s7  }
0x10: {  	[smem:$0x3FAD] =	sst s8  }
0x11: {  	[smem:$0x3FAE] =	sst s9;
	s0 =	simm.s32 @!p0 $0x0  }
0x12: {  	s1 =	sld [smem:$0x3F94];
	s0 =	simm.s32 @p0 $0x1  }
0x13: {  	[smem:$0x3FAF] =	sst s0;
	s0 =	simm.s32 @!p1 $0x0  }
0x14: {  	s2 =	sld [smem:$0x3F93];
	s0 =	simm.s32 @p1 $0x1  }
0x15: {  	[smem:$0x3FB0] =	sst s0;
	s0 =	simm.s32 @!p2 $0x0  }
0x16: {  	s3 =	sld [smem:$0x3FDB];
	s0 =	simm.s32 @p2 $0x1  }
0x17: {  	s4 =	simm.s32 $0x1BF5;
	[smem:$0x3FB2] =	sst s0  }
0x18: {  	s0 =	sld [smem:$0x3F95];
	_ =	swait.ge [sflag:s4], $0x0  }
0x19: {  	s7 =	sld [smem:$0x3F96]  }
0x1a: {  	s8 =	sadd.s32 $0xFFFFE003, lr  }
0x1b: {  	s9 =	sadd.s32 $0xFFFFFEF7, lr;
	s5 =	simm.s32 $0xFFFFFFFF;
	p2 =	slt.u32 s8, $0xFFFFF086  }
0x1c: {  	p1 =	slt.u32 s9, $0xF7A;
	s5 =	simm.s32 @!p2 $0x0  }
0x1d: {  	s5 =	simm.s32 @p1 $0x1;
	p0 =	seq.s32 s7, s2  }
0x1e: {  	s7 =	smul.u32 @!p0 $0xF7A, s2;
	p2 =	seq.s32 @!p0 s5, $0x0  }
0x1f: {  	s9 =	smul.u32 $0xF7A, s1;
	s8 =	simm.s32 @!p0 $0x1BF5;
	p2 =	por !p2, p0  }
0x20: {  	[sflag:s8] =	ssyncset.s32 @!p0 $0xFFFFF086;
	s6 =	sadd.s32 @!p0 s3, s7;
	s7 =	simm.s32 @!p0 $0x108  }
0x21: {  	s3 =	sadd.s32 s3, s9;
	s6 =	sadd.s32 @!p0 $0x88, s6;
	s7 =	simm.s32 @p2 $0x1082  }
0x22: {  	[simem:s7], [sflag:s8] =	dma.local @!p0 [hbm:s6], $0xF7A  }
0x23: {  	s9 =	sor.u32 $0xD0000000, s2;
	s6 =	simm.s32 $0x108;
	_ =	swait.ge @!p0 [sflag:s8], $0x0  }
0x24: {  	s3 =	sadd.s32 $0x88, s3;
	s6 =	simm.s32 @!p1 $0x1082;
	[sflag:s4] =	ssyncset.s32 $0xFFFFF086  }
0x25: {  	[simem:s6], [sflag:s4] =	dma.local [hbm:s3], $0xF7A  }
0x26: {  	[smem:$0x3F96] =	sst s1;
	(tag) =	ssettag s2;
	_ =	strace s9  }
0x27: {  	s1 =	sld [smem:$0x3FA6]  }
0x28: {  	s2 =	sld [smem:$0x3FA7]  }
0x29: {  	s4 =	sld [smem:$0x3FA9]  }
0x2a: {  	p0 =	seq.s32 s5, $0x0;
	s5 =	sld [smem:$0x3FAA]  }
0x2b: {  	s6 =	sld [smem:$0x3FAB]  }
0x2c: {  	s7 =	sld [smem:$0x3FAC]  }
0x2d: {  	s3 =	simm.s32 $0x108;
	s8 =	sld [smem:$0x3FAD]  }
0x2e: {  	s3 =	simm.s32 @!p0 $0x1082;
	s9 =	sld [smem:$0x3FAE]  }
0x2f: {  	lr =	sadd.s32 s0, s3;
	s0 =	sld [smem:$0x3FA5]  }
0x30: {  	s3 =	sld [smem:$0x3FA8]  }
0x31: {  	[smem:$0x3FB1] =	sst s10  }
0x32: {  	s10 =	sld [smem:$0x3FAF];
	_ =	sdelay $0x3  }
0x33: {  	p0 =	seq.s32 s10, $0x1;
	s10 =	sld [smem:$0x3FB1];
	_ =	sdelay $0x3  }
0x34: {  	[smem:$0x3FB1] =	sst s10  }
0x35: {  	s10 =	sld [smem:$0x3FB0];
	_ =	sdelay $0x3  }
0x36: {  	p1 =	seq.s32 s10, $0x1;
	s10 =	sld [smem:$0x3FB1];
	_ =	sdelay $0x3  }
0x37: {  	[smem:$0x3FB1] =	sst s10  }
0x38: {  	s10 =	sld [smem:$0x3FB2]  }
0x39: {  	_ = 	snop;
	(pc) =	sbr.ind lr, $3  }
0x3a: {  	_ = 	snop  }
0x3b: {  	_ = 	snop  }
0x3c: {  	p2 =	seq.s32 s10, $0x1;
	s10 =	sld [smem:$0x3FB1]  }
0x3d: {  	_ =	shalt  }
0x3e: {  	_ =	shalt  }
0x3f: {  	_ =	shalt  }
0x40: {  	_ =	shalt  }
0x41: {  	_ =	shalt  }
0x42: {  	_ =	shalt  }
0x43: {  	_ =	shalt  }
0x44: {  	_ =	shalt  }
0x45: {  	_ =	shalt  }
0x46: {  	_ =	shalt  }
0x47: {  	_ =	shalt  }
0x48: {  	_ =	shalt  }
0x49: {  	_ =	shalt  }
0x4a: {  	_ =	shalt  }
0x4b: {  	_ =	shalt  }
0x4c: {  	_ =	shalt  }
0x4d: {  	_ =	shalt  }
0x4e: {  	_ =	shalt  }
0x4f: {  	_ =	shalt  }
0x50: {  	_ =	shalt  }
0x51: {  	_ =	shalt  }
0x52: {  	_ =	shalt  }
0x53: {  	_ =	shalt  }
0x54: {  	_ =	shalt  }
0x55: {  	_ =	shalt  }
0x56: {  	_ =	shalt  }
0x57: {  	_ =	shalt  }
0x58: {  	_ =	shalt  }
0x59: {  	_ =	shalt  }
0x5a: {  	_ =	shalt  }
0x5b: {  	_ =	shalt  }
0x5c: {  	_ =	shalt  }
0x5d: {  	_ =	shalt  }
0x5e: {  	_ =	shalt  }
0x5f: {  	_ =	shalt  }
0x60: {  	_ =	shalt  }
0x61: {  	_ =	shalt  }
0x62: {  	_ =	shalt  }
0x63: {  	_ =	shalt  }
0x64: {  	_ =	shalt  }
0x65: {  	_ =	shalt  }
0x66: {  	_ =	shalt  }
0x67: {  	_ =	shalt  }
0x68: {  	_ =	shalt  }
0x69: {  	_ =	shalt  }
0x6a: {  	_ =	shalt  }
0x6b: {  	_ =	shalt  }
0x6c: {  	_ =	shalt  }
0x6d: {  	_ =	shalt  }
0x6e: {  	_ =	shalt  }
0x6f: {  	_ =	shalt  }
0x70: {  	_ =	shalt  }
0x71: {  	_ =	shalt  }
0x72: {  	_ =	shalt  }
0x73: {  	_ =	shalt  }
0x74: {  	_ =	shalt  }
0x75: {  	_ =	shalt  }
0x76: {  	_ =	shalt  }
0x77: {  	_ =	shalt  }
0x78: {  	_ =	shalt  }
0x79: {  	_ =	shalt  }
0x7a: {  	_ =	shalt  }
0x7b: {  	_ =	shalt  }
0x7c: {  	_ =	shalt  }
0x7d: {  	_ =	shalt  }
0x7e: {  	_ =	shalt  }
0x7f: {  	_ =	shalt  }
0x80: {  	_ =	shalt  }
0x81: {  	_ =	shalt  }
0x82: {  	_ =	shalt  }
0x83: {  	_ =	shalt  }
0x84: {  	_ =	shalt  }
0x85: {  	_ =	shalt  }
0x86: {  	_ =	shalt  }
0x87: {  	_ =	shalt  }
.Lfunc_end0:
.L_simem_size_0:
called_computation_lowered:
.L_overlay_start_0:
0x88: {  	s2 =	sld [smem:$0x3FD9]  }
0x89: {  	s3 =	sld [smem:$0x3FFE];
	_ =	sdelay $0x1  }
0x8a: {  	s1 =	srdreg.scid  }
0x8b: {  	s0 =	sand.u32 $0x1, s1  }
0x8c: {  	s17 =	sshll.u32 s0, $0xA;
	s2 =	sadd.s32 s3, s2  }
0x8d: {  	s2 =	sadd.s32 s2, s17  }
0x8e: {  	[smem:$0x3FBD] =	sst s2  }
0x8f: {  	_ = 	snop  }
0x90: {  	s2 =	sld [smem:$0x3FC9]  }
0x91: {  	s18 =	sld [smem:$0x3FD0];
	(tm) =	ssettm $0x1  }
0x92: {  	s4 =	sld [smem:$0x3FFB];
	_ =	sdelay $0x3  }
0x93: {  	_ =	strace s4  }
0x94: {  	s4 =	sld [smem:$0x3FFC];
	_ =	sdelay $0x3  }
0x95: {  	_ =	strace s4  }
0x96: {  	s4 =	sld [smem:$0x3FFD];
	_ =	sdelay $0x3  }
0x97: {  	_ =	strace s4  }
0x98: {  	_ =	strace $0x8FFFFFFF  }
0x99: {  	s19 =	sld [smem:$0x3FDB];
	_ =	sdelay $0x1  }
0x9a: {  	s5 =	simm.s32 $_scs_section_size  }
0x9b: {  	s6 =	simm.s32 $_size__tile_overlayer_lowered;
	s7 =	simm.s32 $_tile_overlayer_lowered  }
0x9c: {  	s22 =	simm.s32 $0x1BFF;
	s21 =	sshll.u32 s7, $0x1;
	s4 =	sadd.s32 s5, s19  }
0x9d: {  	s8 =	simm.s32 $0x0;
	s20 =	sshll.u32 s6, $0x1;
	s6 =	sadd.s32 s21, s4  }
0x9e: {  	[timem:s8], [sflag:s22] =	dma.local [hbm:s6], s20  }
0x9f: {  	_ =	swait.ge [sflag:s22], s20  }
0xa0: {  	s5 =	ssub.s32 $0x0, s20;
	[sflag:s22] =	ssyncset.done $0x0  }
0xa1: {  	[sflag:s22] =	ssyncadd.s32 s5;
	_ =	sdelay $0x1  }
0xa2: {  	s23 =	simm.s32 $0x1B8B  }
0xa3: {  	_ =	swait.ge [sflag:s23], $0x1  }
0xa4: {  	[sflag:s23] =	ssyncset.done $0x0  }
0xa5: {  	s25 =	simm.s32 $0x1B8E;
	s24 =	sld [smem:$0x3FFE];
	[sflag:s23] =	ssyncadd.s32 $0xFFFFFFFF  }
0xa6: {  	s26 =	simm.s32 $execute0_lowered;
	[smem:$0x3FD2] =	sst s25  }
0xa7: {  	s6 =	sshll.u32 s26, $0x1;
	_ =	strace $0x80000046;
	[dreg:$0x1] =	wrdreg $0xFFFFFFFF  }
0xa8: {  	s28 =	simm.s32 $_size_execute0_lowered;
	s4 =	sadd.s32 s4, s6;
	[dreg:$0x0] =	wrdreg $0x0  }
0xa9: {  	s6 =	sshll.u32 s28, $0x1;
	[dreg:$0x2] =	wrdreg s4  }
0xaa: {  	[dreg:$0x3] =	wrdreg s6  }
0xab: {  	[dreg:$0x4] =	wrdreg $0xC0  }
0xac: {  	_ =	task [dreg:s8], $0x5FFFF  }
0xad: {  	[dreg:$0x1] =	wrdreg $0xFFFFFFFF  }
0xae: {  	[dreg:$0x0] =	wrdreg $0x60  }
0xaf: {  	[dreg:$0x2] =	wrdreg s2  }
0xb0: {  	[dreg:$0x3] =	wrdreg s24  }
0xb1: {  	[dreg:$0x4] =	wrdreg s18  }
0xb2: {  	[dreg:$0x5] =	wrdreg $0x84000  }
0xb3: {  	[dreg:$0x6] =	wrdreg $0x9  }
0xb4: {  	_ =	task.clear_ibuf [dreg:s8], $0x7FFFF;
	_ =	strace $0x90000046  }
0xb5: {  	s29 =	simm.s32 $0x9;
	_ =	strace $0x80000048  }
0xb6: {  	_ =	swait.ge [sflag:s29], $0x1  }
0xb7: {  	[sflag:s29] =	ssyncadd.s32 $0xFFFFFFFF  }
0xb8: {  	_ =	strace $0x90000048  }
0xb9: {  	_ =	sfence  }
0xba: {  	s30 =	sld [smem:$0x0];
	_ =	sdelay $0x2  }
0xbb: {  	s31 =	sshll.u32 s1, $0xD;
	s1 =	sshrl.u32 s1, $0x2  }
0xbc: {  	s3 =	sand.u32 $0x4000, s31;
	s1 =	sadd.s32 s1, s30  }
0xbd: {  	s0 =	sor.u32 s3, s0;
	s1 =	sshll.u32 s1, $0x11  }
0xbe: {  	s0 =	sor.u32 s1, s0  }
0xbf: {  	s0 =	sadd.s32 $0x8F2B, s0  }
0xc0: {  	[sflag:s0] =	ssyncadd.remote.s32 $0x1  }
0xc1: {  	_ =	sfence.sel $0xFFFF  }
0xc2: {  	[dreg:$0x0] =	wrdreg $0xFFFFFFFF;
	(pc) =	sbr.abs _section_cstart, $3  }
0xc3: {  	[dreg:$0x1] =	wrdreg $0xFFFFFFFF  }
0xc4: {  	_ =	task.clear_ibuf [dreg:s8], $0x2FFFF;
	_ =	strace $0x9FFFFFFF  }
0xc5: {  	(tm) =	ssettm $0x7FFFFFFF  }
tec
execute0_lowered:
.L_overlay_start_1:
0x0: {  	(tag) =	ssettag $0x1  }
0x1: {  	s1 =	rddreg [dreg:$0x0]  }
0x2: {  	s0 =	rddreg [dreg:$0x1]  }
0x3: {  	s2 =	rddreg [dreg:$0x2]  }
0x4: {  	s4 =	rddreg [dreg:$0x3]  }
0x5: {  	s5 =	simm.s32 $0x0;
	s3 =	srdreg.scid;
	s13 =	stileid.u32  }
0x6: {  	s28 =	simm.s32 $0x3;
	s29 =	simm.s32 $0x40;
	s30 =	simm.s32 $0x400  }
0x7: {  	s31 =	simm.s32 $0x2400;
	[smem:$0x7FF] =	sst s5;
	s3 =	sand.u32 $0x1, s3  }
0x8: {  	s7 =	smul.u32 $0x280, s13;
	s6 =	sadd.s32 $0x1A00, s0;
	s21 =	sadd.s32 $0xB800, s0  }
0x9: {  	s24 =	sadd.s32 $0x1600, s0;
	s11 =	smul.u32 $0x50000, s13;
	s14 =	sadd.s32 $0xBC00, s0  }
0xa: {  	s15 =	sshll.u32 s13, $0x6;
	_ =	strace $0x80000047;
	s8 =	smul.u32 $0x2710, s3  }
0xb: {  	s9 =	sshll.u32 s3, $0x4;
	s3 =	ssub.s32 $0x2, s3;
	[dreg:$0x5] =	wrdreg s14  }
0xc: {  	[dreg:$0x6] =	wrdreg s15;
	s7 =	smin.u32 s7, $0x2490;
	s10 =	sor.u32 s13, s9  }
0xd: {  	s12 =	sshrl.u32 s3, $0x1;
	s14 =	sshrl.u32 s11, $0x2;
	s13 =	simm.s32 $0x6400  }
0xe: {  	s8 =	sadd.s32 s8, s7;
	s9 =	smul.u32 $0x2800, s10;
	s3 =	ssub.s32 s3, s12  }
0xf: {  	s12 =	sor.u32 $0x1C03, s15;
	s7 =	sshll.u32 s7, $0x7;
	p0 =	sne.s32 s10, $0x1F  }
0x10: {  	s10 =	simm.s32 $0x4400;
	s15 =	simm.s32 $0x0;
	s8 =	sshll.u32 s8, $0x4  }
0x11: {  	[dreg:$0x7] =	wrdreg s12;
	s7 =	sadd.s32 s7, s4;
	s23 =	smax.u32 s3, $0x1  }
0x12: {  	s16 =	sshrl.u32 s9, $0x3;
	[dreg:$0xf] =	wrdreg s23;
	s26 =	sshrl.u32 s7, $0x3  }
0x13: {  	s3 =	simm.s32 $0x5;
	s18 =	sadd.s32 s6, s16;
	[dreg:$0x11] =	wrdreg s26  }
0x14: {  	s0 =	sadd.s32 s8, s0;
	s19 =	sadd.s32 s2, s16;
	[dreg:$0x8] =	wrdreg s18  }
0x15: {  	s8 =	sadd.s32 s14, s4;
	s0 =	sadd.s32 $0xE400, s0;
	[dreg:$0x9] =	wrdreg s19  }
0x16: {  	s17 =	sor.u32 $0x10, s16;
	s25 =	sshrl.u32 s8, $0x3;
	[dreg:$0xe] =	wrdreg s0  }
0x17: {  	s14 =	simm.s32 $0x4;
	s20 =	sadd.s32 s6, s17;
	[dreg:$0x10] =	wrdreg s25  }
0x18: {  	s11 =	sor.u32 $0x20, s16;
	s12 =	sadd.s32 s2, s17;
	[dreg:$0xa] =	wrdreg s20  }
0x19: {  	s26 =	simm.s32 $0x6;
	s22 =	sadd.s32 s6, s11;
	[dreg:$0xb] =	wrdreg s12  }
0x1a: {  	s11 =	sadd.s32 s2, s11;
	s0 =	simm.s32 $0x1;
	[dreg:$0xc] =	wrdreg s22  }
0x1b: {  	[dreg:$0xd] =	wrdreg s11;
	s22 =	simm.s32 $0x7;
	s12 =	simm.s32 $0x2  }
.LBB2_1:
0x1c: {  	s7 =	rddreg [dreg:$0x5]  }
0x1d: {  	s8 =	rddreg [dreg:$0x7]  }
0x1e: {  	s11 =	rddreg [dreg:$0x10]  }
0x1f: {  	[spmem:s11], [sflag:s8] =	dma.local [hbm:s7], $0x2800  }
0x20: {  	s7 =	rddreg [dreg:$0x8]  }
0x21: {  	[tilespmem:s5], [sflag:$0x7] =	stream.linear.gather [hbm4b:s7+s5], $0x80, $0x38;
	[tilespmem:$0x1C400] =	vst v63  }
0x22: {  	_ =	swait.ge [sflag:s22], $0x80  }
0x23: {  	[sflag:s22] =	ssyncset.done $0x0  }
0x24: {  	s19 =	simm.s32 $0x200;
	s18 =	rddreg [dreg:$0x9];
	[sflag:s22] =	ssyncadd.s32 $0xFFFFFF80  }
0x25: {  	[tilespmem:s19], [sflag:$0x7] =	stream.linear.gather [hbm4b:s18+s5], $0x80, $0x38;
	[tilespmem:$0x1C400] =	vst v63  }
0x26: {  	_ =	swait.ge [sflag:s22], $0x80  }
0x27: {  	[sflag:s22] =	ssyncset.done $0x0  }
0x28: {  	s23 =	simm.s32 $0x80;
	s20 =	rddreg [dreg:$0xa];
	[sflag:s22] =	ssyncadd.s32 $0xFFFFFF80  }
0x29: {  	[tilespmem:s23], [sflag:$0x5] =	stream.linear.gather [hbm4b:s20+s5], $0x80, $0x38;
	[tilespmem:$0x1C400] =	vst v63  }
0x2a: {  	s16 =	simm.s32 $0x280;
	s25 =	rddreg [dreg:$0xb]  }
0x2b: {  	[tilespmem:s16], [sflag:$0x6] =	stream.linear.gather [hbm4b:s25+s5], $0x80, $0x38;
	[tilespmem:$0x1C400] =	vst v63  }
0x2c: {  	_ =	swait.ge [sflag:s28], $0x2800  }
0x2d: {  	[sflag:s28] =	ssyncset.done $0x0  }
0x2e: {  	[sflag:s28] =	ssyncadd.s32 $0xFFFFD800  }
0x2f: {  	[bflag:$0x0] =	sbarrier.arrive $0xFFFF  }
0x30: {  	[tilespmem:s30], [sflag:$0x1] =	stream.indirect.gather [hbm4b:s1+s29], $0x80, s5, s29, $0xb8;
	[tilespmem:$0x1C400] =	vst v63  }
0x31: {  	_ = 	snop  }
0x32: {  	[tilespmem:s31], [sflag:$0x2] =	stream.indirect.gather [hbm4b:s1+s29], $0x80, s29, s29, $0xb8;
	[tilespmem:$0x1C400] =	vst v63  }
0x33: {  	_ =	swait.ge [sflag:s0], $0x2000  }
0x34: {  	[sflag:s0] =	ssyncset.done $0x0  }
0x35: {  	[sflag:s0] =	ssyncadd.s32 $0xFFFFE000  }
0x36: {  	[spmem:s4] =	stream.indirect.scatter.add.f32 [tilespmem:s30], [sflag:$0x3], $0x80, s19, s29, $0xb8;
	[tilespmem:$0x1C400] =	vst v63  }
0x37: {  	_ =	swait.ge [sflag:s3], $0x80  }
0x38: {  	[sflag:s3] =	ssyncset.done $0x0  }
0x39: {  	[sflag:s3] =	ssyncadd.s32 $0xFFFFFF80  }
0x3a: {  	_ =	swait.ge [sflag:s26], $0x80  }
0x3b: {  	[sflag:s26] =	ssyncset.done $0x0  }
0x3c: {  	[sflag:s26] =	ssyncadd.s32 $0xFFFFFF80  }
0x3d: {  	[tilespmem:s10], [sflag:$0x1] =	stream.indirect.gather [hbm4b:s1+s29], $0x80, s23, s29, $0xb8;
	[tilespmem:$0x1C400] =	vst v63  }
0x3e: {  	_ =	swait.ge [sflag:s12], $0x2000  }
0x3f: {  	[sflag:s12] =	ssyncset.done $0x0  }
0x40: {  	s8 =	simm.s32 $0x240;
	[sflag:s12] =	ssyncadd.s32 $0xFFFFE000  }
0x41: {  	[spmem:s4] =	stream.indirect.scatter.add.f32 [tilespmem:s31], [sflag:$0x4], $0x80, s8, s29, $0xb8;
	[tilespmem:$0x1C400] =	vst v63  }
0x42: {  	s11 =	simm.s32 $0xC0  }
0x43: {  	[tilespmem:s13], [sflag:$0x2] =	stream.indirect.gather [hbm4b:s1+s29], $0x80, s11, s29, $0xb8;
	[tilespmem:$0x1C400] =	vst v63  }
0x44: {  	s17 =	simm.s32 $0x100;
	s16 =	rddreg [dreg:$0xc]  }
0x45: {  	[tilespmem:s17], [sflag:$0x5] =	stream.linear.gather [hbm4b:s16+s5], $0x80, $0x38;
	[tilespmem:$0x1C400] =	vst v63  }
0x46: {  	s19 =	simm.s32 $0x300;
	s18 =	rddreg [dreg:$0xd]  }
0x47: {  	[tilespmem:s19], [sflag:$0x6] =	stream.linear.gather [hbm4b:s18+s5], $0x80, $0x38;
	[tilespmem:$0x1C400] =	vst v63  }
0x48: {  	_ =	swait.ge [sflag:s0], $0x2000  }
0x49: {  	[sflag:s0] =	ssyncset.done $0x0  }
0x4a: {  	[sflag:s0] =	ssyncadd.s32 $0xFFFFE000  }
0x4b: {  	s20 =	simm.s32 $0x0;
	_ =	swait.ge [sflag:s28], $0x2000  }
0x4c: {  	s16 =	sand.u32 $0x100, s20;
	[sflag:s28] =	ssyncset.done $0x0  }
0x4d: {  	s7 =	sor.u32 $0x280, s16;
	[sflag:s28] =	ssyncadd.s32 $0xFFFFE000  }
0x4e: {  	[spmem:s4] =	stream.indirect.scatter.add.f32 [tilespmem:s10], [sflag:$0x3], $0x80, s7, s29, $0xb8;
	[tilespmem:$0x1C400] =	vst v63  }
0x4f: {  	_ =	swait.ge [sflag:s3], $0x80  }
0x50: {  	[sflag:s3] =	ssyncset.done $0x0  }
0x51: {  	[sflag:s3] =	ssyncadd.s32 $0xFFFFFF80  }
0x52: {  	_ =	swait.ge [sflag:s26], $0x80  }
0x53: {  	[sflag:s26] =	ssyncset.done $0x0  }
0x54: {  	s23 =	sxor.u32 $0x100, s16;
	[sflag:s26] =	ssyncadd.s32 $0xFFFFFF80  }
0x55: {  	[tilespmem:s30], [sflag:$0x1] =	stream.indirect.gather [hbm4b:s1+s29], $0x80, s23, s29, $0xb8;
	[tilespmem:$0x1C400] =	vst v63  }
0x56: {  	_ =	swait.ge [sflag:s12], $0x2000  }
0x57: {  	[sflag:s12] =	ssyncset.done $0x0  }
0x58: {  	p1 =	por $0x1, $0x1;
	[sflag:s12] =	ssyncadd.s32 $0xFFFFE000  }
0x59: {  	p1 =	por p0, p1;
	_ =	swait.ge [sflag:s14], $0x2000  }
0x5a: {  	s25 =	simm.s32 $0x180;
	s8 =	smov.u32 s9;
	[sflag:s14] =	ssyncset.done $0x0  }
0x5b: {  	s8 =	simm.s32 @!p1 $0xFFFFF600;
	s17 =	sor.u32 $0x2C0, s16;
	[sflag:s14] =	ssyncadd.s32 $0xFFFFE000  }
0x5c: {  	[spmem:s4] =	stream.indirect.scatter.add.f32 [tilespmem:s13], [sflag:$0x4], $0x80, s17, s29, $0xb8;
	[tilespmem:$0x1C400] =	vst v63  }
0x5d: {  	s8 =	sadd.s32 $0x180, s8;
	s18 =	sxor.u32 $0x140, s16;
	s17 =	smov.u32 s21  }
0x5e: {  	[tilespmem:s31], [sflag:$0x2] =	stream.indirect.gather [hbm4b:s1+s29], $0x80, s18, s29, $0xb8;
	[tilespmem:$0x1C400] =	vst v63  }
0x5f: {  	s8 =	sshrl.u32 s8, $0x3;
	s17 =	smov.u32 @p1 s6;
	s18 =	smov.u32 s24  }
0x60: {  	s11 =	sand.u32 $0x180, s25;
	s17 =	sadd.s32 s17, s8;
	s18 =	smov.u32 @p1 s2  }
0x61: {  	[tilespmem:s11], [sflag:$0x5] =	stream.linear.gather [hbm4b:s17+s5], $0x80, $0x38;
	[tilespmem:$0x1C400] =	vst v63  }
0x62: {  	s19 =	sor.u32 $0x200, s11;
	s8 =	sadd.s32 s18, s8  }
0x63: {  	[tilespmem:s19], [sflag:$0x6] =	stream.linear.gather [hbm4b:s8+s5], $0x80, $0x38;
	[tilespmem:$0x1C400] =	vst v63  }
0x64: {  	_ =	swait.ge [sflag:s0], $0x2000  }
0x65: {  	[sflag:s0] =	ssyncset.done $0x0  }
0x66: {  	[sflag:s0] =	ssyncadd.s32 $0xFFFFE000  }
0x67: {  	_ =	swait.ge [sflag:s28], $0x2000  }
0x68: {  	[sflag:s28] =	ssyncset.done $0x0  }
0x69: {  	s7 =	sor.u32 $0x200, s23;
	[sflag:s28] =	ssyncadd.s32 $0xFFFFE000  }
0x6a: {  	[spmem:s4] =	stream.indirect.scatter.add.f32 [tilespmem:s30], [sflag:$0x3], $0x80, s7, s29, $0xb8;
	[tilespmem:$0x1C400] =	vst v63  }
0x6b: {  	_ =	swait.ge [sflag:s3], $0x80  }
0x6c: {  	[sflag:s3] =	ssyncset.done $0x0  }
0x6d: {  	[sflag:s3] =	ssyncadd.s32 $0xFFFFFF80  }
0x6e: {  	_ =	swait.ge [sflag:s26], $0x80  }
0x6f: {  	[sflag:s26] =	ssyncset.done $0x0  }
0x70: {  	[sflag:s26] =	ssyncadd.s32 $0xFFFFFF80  }
0x71: {  	[tilespmem:s10], [sflag:$0x1] =	stream.indirect.gather [hbm4b:s1+s29], $0x80, s11, s29, $0xb8;
	[tilespmem:$0x1C400] =	vst v63  }
0x72: {  	_ =	swait.ge [sflag:s12], $0x2000  }
0x73: {  	[sflag:s12] =	ssyncset.done $0x0  }
0x74: {  	p6 =	por $0x1, $0x1;
	s20 =	smin.u32 s5, $0x4B;
	[sflag:s12] =	ssyncadd.s32 $0xFFFFE000  }
0x75: {  	s23 =	sxor.u32 $0x340, s16;
	p1 =	por p0, p6;
	_ =	swait.ge [sflag:s14], $0x2000  }
0x76: {  	s17 =	simm.s32 $0x280;
	s18 =	smov.u32 s9;
	[sflag:s14] =	ssyncset.done $0x0  }
0x77: {  	s18 =	simm.s32 @!p1 $0xFFFFF600;
	s8 =	smov.u32 s24;
	[sflag:s14] =	ssyncadd.s32 $0xFFFFE000  }
0x78: {  	[spmem:s4] =	stream.indirect.scatter.add.f32 [tilespmem:s31], [sflag:$0x4], $0x80, s23, s29, $0xb8;
	[tilespmem:$0x1C400] =	vst v63  }
0x79: {  	s8 =	smov.u32 @p1 s2;
	s7 =	smov.u32 s21;
	s23 =	sshll.u32 s20, $0x7  }
0x7a: {  	s7 =	smov.u32 @p1 s6;
	s11 =	sor.u32 $0x40, s11;
	s25 =	sadd.s32 s18, s23  }
0x7b: {  	[tilespmem:s13], [sflag:$0x2] =	stream.indirect.gather [hbm4b:s1+s29], $0x80, s11, s29, $0xb8;
	[tilespmem:$0x1C400] =	vst v63  }
0x7c: {  	s18 =	simm.s32 $0x0;
	s23 =	sadd.s32 $0x200, s25;
	s11 =	simm.s32 $0x0  }
.LBB2_2:
0x7d: {  	s23 =	sshrl.u32 s23, $0x3;
	s11 =	sadd.s32 $0x1, s11;
	s18 =	sadd.s32 $0x2, s18  }
0x7e: {  	s20 =	sor.u32 $0x200, s16;
	s7 =	sadd.s32 s7, s23;
	s8 =	sadd.s32 s8, s23  }
0x7f: {  	[tilespmem:s16], [sflag:$0x5] =	stream.linear.gather [hbm4b:s7+s5], $0x80, $0x38;
	[tilespmem:$0x1C400] =	vst v63  }
0x80: {  	p1 =	sne.s32 s17, $0x2780;
	s23 =	smov.u32 s17;
	s17 =	sadd.s32 $0x100, s17  }
0x81: {  	[tilespmem:s20], [sflag:$0x6] =	stream.linear.gather [hbm4b:s8+s5], $0x80, $0x38;
	[tilespmem:$0x1C400] =	vst v63  }
0x82: {  	s7 =	sadd.s32 $0xFFFFFE80, s23;
	_ =	swait.ge [sflag:s0], $0x2000  }
0x83: {  	s16 =	sand.u32 $0x100, s7;
	[sflag:s0] =	ssyncset.done $0x0  }
0x84: {  	s7 =	sor.u32 $0x280, s16;
	[sflag:s0] =	ssyncadd.s32 $0xFFFFE000  }
0x85: {  	_ =	swait.ge [sflag:s28], $0x2000  }
0x86: {  	[sflag:s28] =	ssyncset.done $0x0  }
0x87: {  	[sflag:s28] =	ssyncadd.s32 $0xFFFFE000  }
0x88: {  	[spmem:s4] =	stream.indirect.scatter.add.f32 [tilespmem:s10], [sflag:$0x3], $0x80, s7, s29, $0xb8;
	[tilespmem:$0x1C400] =	vst v63  }
0x89: {  	_ =	swait.ge [sflag:s3], $0x80  }
0x8a: {  	[sflag:s3] =	ssyncset.done $0x0  }
0x8b: {  	s7 =	sxor.u32 $0x100, s16;
	[sflag:s3] =	ssyncadd.s32 $0xFFFFFF80  }
0x8c: {  	_ =	swait.ge [sflag:s26], $0x80  }
0x8d: {  	[sflag:s26] =	ssyncset.done $0x0  }
0x8e: {  	[sflag:s26] =	ssyncadd.s32 $0xFFFFFF80  }
0x8f: {  	[tilespmem:s30], [sflag:$0x1] =	stream.indirect.gather [hbm4b:s1+s29], $0x80, s7, s29, $0xb8;
	[tilespmem:$0x1C400] =	vst v63  }
0x90: {  	p2 =	slt.u32 s11, $0x9;
	_ =	swait.ge [sflag:s12], $0x2000  }
0x91: {  	p2 =	por p0, p2;
	[sflag:s12] =	ssyncset.done $0x0  }
0x92: {  	s8 =	sor.u32 $0x2C0, s16;
	s20 =	smov.u32 s9;
	[sflag:s12] =	ssyncadd.s32 $0xFFFFE000  }
0x93: {  	s20 =	simm.s32 @!p2 $0xFFFFF600;
	_ =	swait.ge [sflag:s14], $0x2000  }
0x94: {  	s20 =	sadd.s32 s23, s20;
	[sflag:s14] =	ssyncset.done $0x0  }
0x95: {  	s19 =	smov.u32 s21;
	s20 =	sshrl.u32 s20, $0x3;
	[sflag:s14] =	ssyncadd.s32 $0xFFFFE000  }
0x96: {  	[spmem:s4] =	stream.indirect.scatter.add.f32 [tilespmem:s13], [sflag:$0x4], $0x80, s8, s29, $0xb8;
	[tilespmem:$0x1C400] =	vst v63  }
0x97: {  	s19 =	smov.u32 @p2 s6;
	s8 =	sxor.u32 $0x140, s16  }
0x98: {  	[tilespmem:s31], [sflag:$0x2] =	stream.indirect.gather [hbm4b:s1+s29], $0x80, s8, s29, $0xb8;
	[tilespmem:$0x1C400] =	vst v63  }
0x99: {  	s8 =	smov.u32 s24  }
0x9a: {  	s23 =	sand.u32 $0x180, s23;
	s19 =	sadd.s32 s19, s20;
	s8 =	smov.u32 @p2 s2  }
0x9b: {  	[tilespmem:s23], [sflag:$0x5] =	stream.linear.gather [hbm4b:s19+s5], $0x80, $0x38;
	[tilespmem:$0x1C400] =	vst v63  }
0x9c: {  	s19 =	sor.u32 $0x200, s23;
	s8 =	sadd.s32 s8, s20  }
0x9d: {  	[tilespmem:s19], [sflag:$0x6] =	stream.linear.gather [hbm4b:s8+s5], $0x80, $0x38;
	[tilespmem:$0x1C400] =	vst v63  }
0x9e: {  	_ =	swait.ge [sflag:s0], $0x2000  }
0x9f: {  	[sflag:s0] =	ssyncset.done $0x0  }
0xa0: {  	[sflag:s0] =	ssyncadd.s32 $0xFFFFE000  }
0xa1: {  	_ =	swait.ge [sflag:s28], $0x2000  }
0xa2: {  	s7 =	sor.u32 $0x200, s7;
	[sflag:s28] =	ssyncset.done $0x0  }
0xa3: {  	[sflag:s28] =	ssyncadd.s32 $0xFFFFE000  }
0xa4: {  	[spmem:s4] =	stream.indirect.scatter.add.f32 [tilespmem:s30], [sflag:$0x3], $0x80, s7, s29, $0xb8;
	[tilespmem:$0x1C400] =	vst v63  }
0xa5: {  	_ =	swait.ge [sflag:s3], $0x80  }
0xa6: {  	[sflag:s3] =	ssyncset.done $0x0  }
0xa7: {  	[sflag:s3] =	ssyncadd.s32 $0xFFFFFF80  }
0xa8: {  	_ =	swait.ge [sflag:s26], $0x80  }
0xa9: {  	[sflag:s26] =	ssyncset.done $0x0  }
0xaa: {  	p2 =	slt.u32 s11, $0x8;
	[sflag:s26] =	ssyncadd.s32 $0xFFFFFF80  }
0xab: {  	[tilespmem:s10], [sflag:$0x1] =	stream.indirect.gather [hbm4b:s1+s29], $0x80, s23, s29, $0xb8;
	[tilespmem:$0x1C400] =	vst v63  }
0xac: {  	p2 =	por p0, p2;
	s20 =	smov.u32 s9;
	_ =	swait.ge [sflag:s12], $0x2000  }
0xad: {  	s20 =	simm.s32 @!p2 $0xFFFFF600;
	s8 =	smin.u32 s18, $0x4B;
	[sflag:s12] =	ssyncset.done $0x0  }
0xae: {  	s19 =	sxor.u32 $0x340, s16;
	s25 =	sshll.u32 s8, $0x7;
	[sflag:s12] =	ssyncadd.s32 $0xFFFFE000  }
0xaf: {  	s8 =	smov.u32 s24;
	s7 =	smov.u32 s21;
	_ =	swait.ge [sflag:s14], $0x2000  }
.Ltmp0:
0xb0: {  	s7 =	smov.u32 @p2 s6;
	[sflag:s14] =	ssyncset.done $0x0;
	(pc) =	sbr.rel @p1 .LBB2_2-.Ltmp0, $4  }
0xb1: {  	s8 =	smov.u32 @p2 s2;
	s20 =	sadd.s32 s20, s25;
	[sflag:s14] =	ssyncadd.s32 $0xFFFFE000  }
0xb2: {  	[spmem:s4] =	stream.indirect.scatter.add.f32 [tilespmem:s31], [sflag:$0x4], $0x80, s19, s29, $0xb8;
	[tilespmem:$0x1C400] =	vst v63  }
0xb3: {  	s19 =	sor.u32 $0x40, s23;
	s23 =	sadd.s32 $0x200, s20  }
0xb4: {  	[tilespmem:s13], [sflag:$0x2] =	stream.indirect.gather [hbm4b:s1+s29], $0x80, s19, s29, $0xb8;
	[tilespmem:$0x1C400] =	vst v63  }
0xb5: {  	s11 =	sshrl.u32 s23, $0x3  }
0xb6: {  	s7 =	sadd.s32 s7, s11  }
0xb7: {  	[tilespmem:s16], [sflag:$0x5] =	stream.linear.gather [hbm4b:s7+s5], $0x80, $0x38;
	[tilespmem:$0x1C400] =	vst v63  }
0xb8: {  	s8 =	sadd.s32 s8, s11;
	s16 =	sor.u32 $0x200, s16  }
0xb9: {  	[tilespmem:s16], [sflag:$0x6] =	stream.linear.gather [hbm4b:s8+s5], $0x80, $0x38;
	[tilespmem:$0x1C400] =	vst v63  }
0xba: {  	_ =	swait.ge [sflag:s0], $0x2000  }
0xbb: {  	[sflag:s0] =	ssyncset.done $0x0  }
0xbc: {  	[sflag:s0] =	ssyncadd.s32 $0xFFFFE000  }
0xbd: {  	_ =	swait.ge [sflag:s28], $0x2000  }
0xbe: {  	[sflag:s28] =	ssyncset.done $0x0  }
0xbf: {  	s17 =	simm.s32 $0x380;
	[sflag:s28] =	ssyncadd.s32 $0xFFFFE000  }
0xc0: {  	[spmem:s4] =	stream.indirect.scatter.add.f32 [tilespmem:s10], [sflag:$0x3], $0x80, s17, s29, $0xb8;
	[tilespmem:$0x1C400] =	vst v63  }
0xc1: {  	_ =	swait.ge [sflag:s12], $0x2000  }
0xc2: {  	[sflag:s12] =	ssyncset.done $0x0  }
0xc3: {  	[sflag:s12] =	ssyncadd.s32 $0xFFFFE000  }
0xc4: {  	_ =	swait.ge [sflag:s14], $0x2000  }
0xc5: {  	[sflag:s14] =	ssyncset.done $0x0  }
0xc6: {  	s18 =	simm.s32 $0x3C0;
	[sflag:s14] =	ssyncadd.s32 $0xFFFFE000  }
0xc7: {  	[spmem:s4] =	stream.indirect.scatter.add.f32 [tilespmem:s13], [sflag:$0x4], $0x80, s18, s29, $0xb8;
	[tilespmem:$0x1C400] =	vst v63  }
0xc8: {  	_ =	swait.ge [sflag:s3], $0x80  }
0xc9: {  	[sflag:s3] =	ssyncset.done $0x0  }
0xca: {  	[sflag:s3] =	ssyncadd.s32 $0xFFFFFF80  }
0xcb: {  	_ =	swait.ge [sflag:s26], $0x80  }
0xcc: {  	[sflag:s26] =	ssyncset.done $0x0  }
0xcd: {  	[sflag:s26] =	ssyncadd.s32 $0xFFFFFF80  }
0xce: {  	_ =	swait.ge [sflag:s28], $0x2000  }
0xcf: {  	[sflag:s28] =	ssyncset.done $0x0  }
0xd0: {  	[sflag:s28] =	ssyncadd.s32 $0xFFFFE000  }
0xd1: {  	_ =	swait.ge [sflag:s14], $0x2000  }
0xd2: {  	[sflag:s14] =	ssyncset.done $0x0  }
0xd3: {  	[sflag:s14] =	ssyncadd.s32 $0xFFFFE000  }
0xd4: {  	[bflag:$0x0] =	sbarrier.arrive $0xFFFF  }
0xd5: {  	s19 =	rddreg [dreg:$0x6]  }
0xd6: {  	s20 =	rddreg [dreg:$0xe]  }
0xd7: {  	s23 =	rddreg [dreg:$0x11];
	s7 =	sor.u32 $0x1C07, s19  }
0xd8: {  	[hbm:s20], [sflag:s7] =	dma.local [spmem:s23], $0x2800  }
0xd9: {  	_ =	swait.ge [sflag:s22], $0x2800  }
0xda: {  	s15 =	sadd.s32 $0x1, s15;
	s25 =	rddreg [dreg:$0xf]  }
0xdb: {  	p1 =	sne.s32 s15, s25  }
.Ltmp1:
0xdc: {  	_ = 	snop;
	(pc) =	sbr.rel @p1 .LBB2_1-.Ltmp1, $3  }
0xdd: {  	_ =	sdelay $0x1  }
0xde: {  	[sflag:s22] =	ssyncset.done $0x0  }
0xdf: {  	[sflag:s22] =	ssyncadd.s32 $0xFFFFD800  }
0xe0: {  	_ =	sfence.sel $0x180000  }
0xe1: {  	[bflag:$0x0] =	sbarrier.arrive $0xFFFF  }
0xe2: {  	_ =	strace $0x90000047  }
0xe3: {  	s0 =	stileid.u32;
	[bflag:$0x2] =	sbarrier.arrive $0xFFFF  }
0xe4: {  	p0 =	sne.s32 s0, $0x0;
	s0 =	rddreg [dreg:$0x4]  }
0xe5: {  	s0 =	sadd.s32 @!p0 $0x100000, s0  }
0xe6: {  	[sflag:s0] =	ssyncadd.tile.s32 @!p0 $0x1;
	_ =	shalt  }
.Lfunc_end2:
_tile_overlayer_lowered:
.L_overlay_start_2:
0xe7: {  	(tag) =	ssettag $0x2  }
0xe8: {  	s0 =	rddreg [dreg:$0x0];
	s2 =	stileid.u32  }
0xe9: {  	s1 =	rddreg [dreg:$0x1];
	p0 =	sne.s32 s2, $0x0  }
0xea: {  	s3 =	rddreg [dreg:$0x2];
	[bflag:$0x3] =	sbarrier.arrive $0xFFFF;
	s2 =	simm.s32 @!p0 $0x1C07  }
0xeb: {  	[timem:s3], [sflag:s2] =	dma.local @!p0 [hbm:s0], s1  }
0xec: {  	s0 =	simm.s32 @!p0 $0x7  }
0xed: {  	_ =	swait.ge @!p0 [sflag:s0], s1  }
0xee: {  	s1 =	ssub.s32 @!p0 $0x0, s1;
	[sflag:s0] =	ssyncset.done @!p0 $0x0  }
0xef: {  	[sflag:s0] =	ssyncadd.s32 @!p0 s1  }
0xf0: {  	[bflag:$0x3] =	sbarrier.arrive $0xFFFF  }
0xf1: {  	_ =	shalt  }

</sc_bundles>
